<compile_context>
chip_gen: v7x
topology: tpu7x:2x2x1
jax: 0.10.2.dev20260603
libtpu: 0.0.44.dev20260713+nightly
codegen_flags: <defaults>
</compile_context>

<pallas_src>
import functools

import jax
import jax.numpy as jnp
import numpy as np
from jax import lax
from jax.experimental import pallas as pl
from jax.experimental.pallas import tpu as pltpu
from jax.experimental.pallas import tpu_sc as plsc

N = 16777216
NUM_KNOTS_ = 30
NC, NS, L = 2, 16, 16
NW = NC * NS
PER_W = N // NW
CH = 8192
NCHUNK = PER_W // CH
NBUF = 4

@functools.cache
def _build_spline_sc():
    mesh = plsc.VectorSubcoreMesh(
        core_axis_name="c", subcore_axis_name="s",
        num_cores=NC, num_subcores=NS)
    return pl.kernel(
        _spline_body,
        out_type=jax.ShapeDtypeStruct((N,), jnp.float32),
        mesh=mesh,
        compiler_params=pltpu.CompilerParams(needs_layout_passes=False),
        scratch_types=[pltpu.VMEM((CH,), jnp.float32)] * (2 * NBUF) + [
            pltpu.VMEM((48,), jnp.float32),
            pltpu.VMEM((32,), jnp.float32),
            pltpu.VMEM((32,), jnp.float32),
        ] + [pltpu.SemaphoreType.DMA] * (2 * NBUF),
    )


_S_MAX = float(np.nextafter(np.float32(NUM_KNOTS_ - 1), np.float32(0)))


def _spline_body(x_hbm, co_hbm, out_hbm, *refs):
    xb = refs[:NBUF]
    yb = refs[NBUF:2 * NBUF]
    cov, atab, btab = refs[2 * NBUF:2 * NBUF + 3]
    lsem = refs[2 * NBUF + 3:2 * NBUF + 3 + NBUF]
    ssem = refs[2 * NBUF + 3 + NBUF:]
    wid = lax.axis_index("s") * NC + lax.axis_index("c")
    base = wid * PER_W

    def start_load_dyn(c, buf):
        pltpu.async_copy(
            x_hbm.at[pl.ds(base + c * CH, CH)], xb[buf], lsem[buf])

    def start_store_dyn(c, buf):
        pltpu.async_copy(
            yb[buf], out_hbm.at[pl.ds(base + c * CH, CH)], ssem[buf])

    for j in range(NBUF):
        start_load_dyn(j, j)

    pltpu.sync_copy(co_hbm, cov.at[pl.ds(0, NUM_KNOTS_)])
    for h in range(2):
        lane = lax.iota(jnp.int32, 16) + (16 * h)
        c0 = cov[pl.ds(16 * h, L)]
        c1 = cov[pl.ds(16 * h + 1, L)]
        bv = (c1 - c0) * jnp.float32(NUM_KNOTS_ - 1)
        k0 = lane.astype(jnp.float32) * jnp.float32(1.0 / (NUM_KNOTS_ - 1))
        atab[pl.ds(16 * h, L)] = c0 - k0 * bv
        btab[pl.ds(16 * h, L)] = bv

    def wait_load(buf):
        pltpu.make_async_copy(
            x_hbm.at[pl.ds(0, CH)], xb[buf], lsem[buf]).wait()

    def wait_store(buf):
        pltpu.make_async_copy(
            yb[buf], out_hbm.at[pl.ds(0, CH)], ssem[buf]).wait()

    def compute(buf, c):
        @plsc.parallel_loop(0, CH, L, unroll=8)
        def _(off):
            xv = xb[buf][pl.ds(off, L)]
            s = jnp.minimum(xv * jnp.float32(NUM_KNOTS_ - 1),
                            jnp.float32(_S_MAX))
            idx = s.astype(jnp.int32)
            av = plsc.load_gather(atab, [idx])
            bv = plsc.load_gather(btab, [idx])
            yb[buf][pl.ds(off, L)] = av + bv * xv

        start_store_dyn(c, buf)

    npass = NCHUNK // NBUF

    def ring_pass(i, _):
        cb = i * NBUF
        for j in range(NBUF):
            wait_load(j)

            @pl.when(i > 0)
            def _():
                wait_store(j)

            compute(j, cb + j)

            @pl.when(i < npass - 1)
            def _():
                start_load_dyn(cb + j + NBUF, j)

        return 0

    lax.fori_loop(0, npass, ring_pass, 0)

    for j in range(NBUF):
        wait_store(j)


def kernel(x, coeffs):
    return _build_spline_sc()(x, coeffs)

# --- scband reference (transcript-rebuilt; emitter-appended) ---
"""Pipeline reference for scband-simple-spline-23089744183689 (READ-ONLY COPY).

The authoritative reference and input builder live on the scoring server;
editing this copy changes nothing except your own understanding.
"""

import jax, jax.numpy as jnp
import numpy as np

NUM_KNOTS = 30
IN_MIN, IN_MAX = 0.0, 1.0
OUT_MIN, OUT_MAX = 0.0, 1.0


def setup_inputs(seed: int = 0) -> dict:
    key = jax.random.key(seed)
    x = jax.random.uniform(key, (16777216,), dtype=jnp.float32)
    # learned parameter: coeffs, initialized as linspace over out_range (matches torch init)
    coeffs = jnp.linspace(OUT_MIN, OUT_MAX, NUM_KNOTS, dtype=jnp.float32)
    return {"x": x, "coeffs": coeffs}


def reference(x, coeffs):
    # knots is a non-learned buffer
    knots = jnp.linspace(IN_MIN, IN_MAX, NUM_KNOTS, dtype=jnp.float32)
    xc = jnp.clip(x, IN_MIN, IN_MAX)
    # torch.searchsorted default (right=False) == jnp.searchsorted side='left'
    intervals = jnp.clip(jnp.searchsorted(knots, xc) - 1, 0, NUM_KNOTS - 2)
    k_lo = jnp.take(knots, intervals)
    k_hi = jnp.take(knots, intervals + 1)
    t = (xc - k_lo) / (k_hi - k_lo)
    c_lo = jnp.take(coeffs, intervals)
    c_hi = jnp.take(coeffs, intervals + 1)
    return (1.0 - t) * c_lo + t * c_hi

if __name__ == "__main__":
    import jax
    _d = setup_inputs()
    print(jax.jit(kernel)(*tuple(_d.values())))

</pallas_src>

<mosaic_0001>
#map = affine_map<(d0, d1) -> (0)>
module attributes {stable_mosaic.version = 14 : i64} {
  func.func @_spline_body(%arg0: i32, %arg1: i32, %arg2: memref<16777216xf32, #tpu.memory_space<hbm>>, %arg3: memref<30xf32, #tpu.memory_space<hbm>>, %arg4: memref<16777216xf32, #tpu.memory_space<hbm>>, %arg5: memref<8192xf32, #tpu.memory_space<vmem>>, %arg6: memref<8192xf32, #tpu.memory_space<vmem>>, %arg7: memref<8192xf32, #tpu.memory_space<vmem>>, %arg8: memref<8192xf32, #tpu.memory_space<vmem>>, %arg9: memref<8192xf32, #tpu.memory_space<vmem>>, %arg10: memref<8192xf32, #tpu.memory_space<vmem>>, %arg11: memref<8192xf32, #tpu.memory_space<vmem>>, %arg12: memref<8192xf32, #tpu.memory_space<vmem>>, %arg13: memref<48xf32, #tpu.memory_space<vmem>>, %arg14: memref<32xf32, #tpu.memory_space<vmem>>, %arg15: memref<32xf32, #tpu.memory_space<vmem>>, %arg16: memref<!tpu.dma_semaphore, #tpu.memory_space<semaphore_mem>>, %arg17: memref<!tpu.dma_semaphore, #tpu.memory_space<semaphore_mem>>, %arg18: memref<!tpu.dma_semaphore, #tpu.memory_space<semaphore_mem>>, %arg19: memref<!tpu.dma_semaphore, #tpu.memory_space<semaphore_mem>>, %arg20: memref<!tpu.dma_semaphore, #tpu.memory_space<semaphore_mem>>, %arg21: memref<!tpu.dma_semaphore, #tpu.memory_space<semaphore_mem>>, %arg22: memref<!tpu.dma_semaphore, #tpu.memory_space<semaphore_mem>>, %arg23: memref<!tpu.dma_semaphore, #tpu.memory_space<semaphore_mem>>) attributes {dimension_semantics = [#tpu.dimension_semantics<core_parallel>, #tpu.dimension_semantics<subcore_parallel>], iteration_bounds = array<i64: 2, 16>, scalar_prefetch = 0 : i64, scratch_operands = 19 : i64, tpu.core_type = #tpu.core_type<sc_vector_subcore>, window_params = [{transform_indices = #map}, {transform_indices = #map}, {transform_indices = #map}]} {
    %mul3A = arith.constant 2 : i32
    %mul3A_0 = arith.muli %arg1, %mul3A : i32
    %add3A = arith.addi %mul3A_0, %arg0 : i32
    %mul3A_1 = arith.constant 524288 : i32
    %mul3A_2 = arith.muli %add3A, %mul3A_1 : i32
    %add3A_3 = arith.constant 0 : i32
    %add3A_4 = arith.addi %mul3A_2, %add3A_3 : i32
    %dma_start3A = tpu.memref_slice %arg2[%add3A_4] : memref<16777216xf32, #tpu.memory_space<hbm>> -> memref<8192xf32, #tpu.memory_space<hbm>>
    %dma_start3A_5 = tpu.memref_slice %arg2[%add3A_4] : memref<16777216xf32, #tpu.memory_space<hbm>> -> memref<8192xf32, #tpu.memory_space<hbm>>
    tpu.enqueue_dma source(%dma_start3A_5 : memref<8192xf32, #tpu.memory_space<hbm>>) target(%arg5 : memref<8192xf32, #tpu.memory_space<vmem>>) target_semaphore(%arg16 : memref<!tpu.dma_semaphore, #tpu.memory_space<semaphore_mem>>)
    %add3A_6 = arith.constant 8192 : i32
    %add3A_7 = arith.addi %mul3A_2, %add3A_6 : i32
    %dma_start3A_8 = tpu.memref_slice %arg2[%add3A_7] : memref<16777216xf32, #tpu.memory_space<hbm>> -> memref<8192xf32, #tpu.memory_space<hbm>>
    %dma_start3A_9 = tpu.memref_slice %arg2[%add3A_7] : memref<16777216xf32, #tpu.memory_space<hbm>> -> memref<8192xf32, #tpu.memory_space<hbm>>
    tpu.enqueue_dma source(%dma_start3A_9 : memref<8192xf32, #tpu.memory_space<hbm>>) target(%arg6 : memref<8192xf32, #tpu.memory_space<vmem>>) target_semaphore(%arg17 : memref<!tpu.dma_semaphore, #tpu.memory_space<semaphore_mem>>)
    %add3A_10 = arith.constant 16384 : i32
    %add3A_11 = arith.addi %mul3A_2, %add3A_10 : i32
    %dma_start3A_12 = tpu.memref_slice %arg2[%add3A_11] : memref<16777216xf32, #tpu.memory_space<hbm>> -> memref<8192xf32, #tpu.memory_space<hbm>>
    %dma_start3A_13 = tpu.memref_slice %arg2[%add3A_11] : memref<16777216xf32, #tpu.memory_space<hbm>> -> memref<8192xf32, #tpu.memory_space<hbm>>
    tpu.enqueue_dma source(%dma_start3A_13 : memref<8192xf32, #tpu.memory_space<hbm>>) target(%arg7 : memref<8192xf32, #tpu.memory_space<vmem>>) target_semaphore(%arg18 : memref<!tpu.dma_semaphore, #tpu.memory_space<semaphore_mem>>)
    %add3A_14 = arith.constant 24576 : i32
    %add3A_15 = arith.addi %mul3A_2, %add3A_14 : i32
    %dma_start3A_16 = tpu.memref_slice %arg2[%add3A_15] : memref<16777216xf32, #tpu.memory_space<hbm>> -> memref<8192xf32, #tpu.memory_space<hbm>>
    %dma_start3A_17 = tpu.memref_slice %arg2[%add3A_15] : memref<16777216xf32, #tpu.memory_space<hbm>> -> memref<8192xf32, #tpu.memory_space<hbm>>
    tpu.enqueue_dma source(%dma_start3A_17 : memref<8192xf32, #tpu.memory_space<hbm>>) target(%arg8 : memref<8192xf32, #tpu.memory_space<vmem>>) target_semaphore(%arg19 : memref<!tpu.dma_semaphore, #tpu.memory_space<semaphore_mem>>)
    "tpu.region"() ({
      %run_scoped3A = tpu.sem_alloc : memref<!tpu.dma_semaphore, #tpu.memory_space<semaphore_mem>>
      %dma_start3A_78 = arith.constant 0 : i32
      %dma_start3A_79 = tpu.memref_slice %arg13[%dma_start3A_78] : memref<48xf32, #tpu.memory_space<vmem>> -> memref<30xf32, #tpu.memory_space<vmem>>
      %dma_start3A_80 = arith.constant 0 : i32
      %dma_start3A_81 = tpu.memref_slice %arg13[%dma_start3A_80] : memref<48xf32, #tpu.memory_space<vmem>> -> memref<30xf32, #tpu.memory_space<vmem>>
      tpu.enqueue_dma source(%arg3 : memref<30xf32, #tpu.memory_space<hbm>>) target(%dma_start3A_81 : memref<30xf32, #tpu.memory_space<vmem>>) target_semaphore(%run_scoped3A : memref<!tpu.dma_semaphore, #tpu.memory_space<semaphore_mem>>)
      %dma_wait3A_82 = arith.constant 0 : i32
      %dma_wait3A_83 = tpu.memref_slice %arg13[%dma_wait3A_82] : memref<48xf32, #tpu.memory_space<vmem>> -> memref<30xf32, #tpu.memory_space<vmem>>
      %dma_wait3A_84 = arith.constant 0 : i32
      %dma_wait3A_85 = tpu.memref_slice %arg13[%dma_wait3A_84] : memref<48xf32, #tpu.memory_space<vmem>> -> memref<30xf32, #tpu.memory_space<vmem>>
      tpu.wait_dma2 semaphore(%run_scoped3A : memref<!tpu.dma_semaphore, #tpu.memory_space<semaphore_mem>>) src(%arg3 : memref<30xf32, #tpu.memory_space<hbm>>) dst(%dma_wait3A_85 : memref<30xf32, #tpu.memory_space<vmem>>)
      tpu.yield
    }) : () -> ()
    %iota3A = tpu.iota {dimensions = array<i32: 0>} : vector<16xi32>
    %add3A_18 = arith.constant 0 : i32
    %add3A_19 = vector.broadcast %add3A_18 : i32 to vector<16xi32>
    %add3A_20 = arith.addi %iota3A, %add3A_19 : vector<16xi32>
    %get3A = arith.constant 0 : index
    %get3A_21 = tpu.vector_load %arg13[%get3A] {strides = array<i32>} : memref<48xf32, #tpu.memory_space<vmem>>, vector<16xf32>,
    %get3A_22 = arith.constant 1 : index
    %get3A_23 = tpu.vector_load %arg13[%get3A_22] {strides = array<i32>} : memref<48xf32, #tpu.memory_space<vmem>>, vector<16xf32>,
    %sub3A = arith.subf %get3A_23, %get3A_21 : vector<16xf32>
    %mul3A_24 = arith.constant 2.900000e+01 : f32
    %mul3A_25 = vector.broadcast %mul3A_24 : f32 to vector<16xf32>
    %mul3A_26 = arith.mulf %sub3A, %mul3A_25 : vector<16xf32>
    %convert_element_type3A = arith.sitofp %add3A_20 : vector<16xi32> to vector<16xf32>
    %mul3A_27 = arith.constant 0.0344827585 : f32
    %mul3A_28 = vector.broadcast %mul3A_27 : f32 to vector<16xf32>
    %mul3A_29 = arith.mulf %convert_element_type3A, %mul3A_28 : vector<16xf32>
    %mul3A_30 = arith.mulf %mul3A_29, %mul3A_26 : vector<16xf32>
    %sub3A_31 = arith.subf %get3A_21, %mul3A_30 : vector<16xf32>
    %swap3A = arith.constant 0 : index
    %swap3A_32 = tpu.vector_load %arg14[%swap3A] {strides = array<i32>} : memref<32xf32, #tpu.memory_space<vmem>>, vector<16xf32>,
    tpu.vector_store %arg14[%swap3A], %sub3A_31 {strides = array<i32>} : memref<32xf32, #tpu.memory_space<vmem>>, vector<16xf32>,
    %swap3A_33 = arith.constant 0 : index
    %swap3A_34 = tpu.vector_load %arg15[%swap3A_33] {strides = array<i32>} : memref<32xf32, #tpu.memory_space<vmem>>, vector<16xf32>,
    tpu.vector_store %arg15[%swap3A_33], %mul3A_26 {strides = array<i32>} : memref<32xf32, #tpu.memory_space<vmem>>, vector<16xf32>,
    %iota3A_35 = tpu.iota {dimensions = array<i32: 0>} : vector<16xi32>
    %add3A_36 = arith.constant 16 : i32
    %add3A_37 = vector.broadcast %add3A_36 : i32 to vector<16xi32>
    %add3A_38 = arith.addi %iota3A_35, %add3A_37 : vector<16xi32>
    %get3A_39 = arith.constant 16 : index
    %get3A_40 = tpu.vector_load %arg13[%get3A_39] {strides = array<i32>} : memref<48xf32, #tpu.memory_space<vmem>>, vector<16xf32>,
    %get3A_41 = arith.constant 17 : index
    %get3A_42 = tpu.vector_load %arg13[%get3A_41] {strides = array<i32>} : memref<48xf32, #tpu.memory_space<vmem>>, vector<16xf32>,
    %sub3A_43 = arith.subf %get3A_42, %get3A_40 : vector<16xf32>
    %mul3A_44 = arith.constant 2.900000e+01 : f32
    %mul3A_45 = vector.broadcast %mul3A_44 : f32 to vector<16xf32>
    %mul3A_46 = arith.mulf %sub3A_43, %mul3A_45 : vector<16xf32>
    %convert_element_type3A_47 = arith.sitofp %add3A_38 : vector<16xi32> to vector<16xf32>
    %mul3A_48 = arith.constant 0.0344827585 : f32
    %mul3A_49 = vector.broadcast %mul3A_48 : f32 to vector<16xf32>
    %mul3A_50 = arith.mulf %convert_element_type3A_47, %mul3A_49 : vector<16xf32>
    %mul3A_51 = arith.mulf %mul3A_50, %mul3A_46 : vector<16xf32>
    %sub3A_52 = arith.subf %get3A_40, %mul3A_51 : vector<16xf32>
    %swap3A_53 = arith.constant 16 : index
    %swap3A_54 = tpu.vector_load %arg14[%swap3A_53] {strides = array<i32>} : memref<32xf32, #tpu.memory_space<vmem>>, vector<16xf32>,
    tpu.vector_store %arg14[%swap3A_53], %sub3A_52 {strides = array<i32>} : memref<32xf32, #tpu.memory_space<vmem>>, vector<16xf32>,
    %swap3A_55 = arith.constant 16 : index
    %swap3A_56 = tpu.vector_load %arg15[%swap3A_55] {strides = array<i32>} : memref<32xf32, #tpu.memory_space<vmem>>, vector<16xf32>,
    tpu.vector_store %arg15[%swap3A_55], %mul3A_46 {strides = array<i32>} : memref<32xf32, #tpu.memory_space<vmem>>, vector<16xf32>,
    %scan3A = arith.constant 0 : i32
    %scan3A_57 = arith.constant 0 : i32
    %scan3A_58 = arith.constant 16 : i32
    %scan3A_59 = arith.addi %scan3A_57, %scan3A_58 : i32
    %scan3A_60 = arith.constant 1 : i32
    %scan3A_61 = scf.for %scan3A_78 = %scan3A_57 to %scan3A_59 step %scan3A_60 iter_args(%scan3A_79 = %scan3A) -> (i32)  : i32 {
      %mul3A_80 = arith.constant 4 : i32
      %mul3A_81 = arith.muli %scan3A_78, %mul3A_80 : i32
      %dma_wait3A_82 = arith.constant 0 : i32
      %dma_wait3A_83 = tpu.memref_slice %arg2[%dma_wait3A_82] : memref<16777216xf32, #tpu.memory_space<hbm>> -> memref<8192xf32, #tpu.memory_space<hbm>>
      %dma_wait3A_84 = arith.constant 0 : i32
      %dma_wait3A_85 = tpu.memref_slice %arg2[%dma_wait3A_84] : memref<16777216xf32, #tpu.memory_space<hbm>> -> memref<8192xf32, #tpu.memory_space<hbm>>
      tpu.wait_dma2 semaphore(%arg16 : memref<!tpu.dma_semaphore, #tpu.memory_space<semaphore_mem>>) src(%dma_wait3A_85 : memref<8192xf32, #tpu.memory_space<hbm>>) dst(%arg5 : memref<8192xf32, #tpu.memory_space<vmem>>)
      %gt3A = arith.constant 0 : i32
      %gt3A_86 = arith.cmpi sgt, %scan3A_78, %gt3A : i32
      %convert_element_type3A_87 = arith.extui %gt3A_86 : i1 to i32
      %cond3A = arith.constant 0 : i32
      %cond3A_88 = arith.cmpi ne, %convert_element_type3A_87, %cond3A : i32
      scf.if %cond3A_88 {
        %dma_wait3A_175 = arith.constant 0 : i32
        %dma_wait3A_176 = tpu.memref_slice %arg4[%dma_wait3A_175] : memref<16777216xf32, #tpu.memory_space<hbm>> -> memref<8192xf32, #tpu.memory_space<hbm>>
        %dma_wait3A_177 = arith.constant 0 : i32
        %dma_wait3A_178 = tpu.memref_slice %arg4[%dma_wait3A_177] : memref<16777216xf32, #tpu.memory_space<hbm>> -> memref<8192xf32, #tpu.memory_space<hbm>>
        tpu.wait_dma2 semaphore(%arg20 : memref<!tpu.dma_semaphore, #tpu.memory_space<semaphore_mem>>) src(%arg9 : memref<8192xf32, #tpu.memory_space<vmem>>) dst(%dma_wait3A_178 : memref<8192xf32, #tpu.memory_space<hbm>>)
      } else {
      }
      %add3A_89 = arith.constant 0 : i32
      %add3A_90 = arith.addi %mul3A_81, %add3A_89 : i32
      %parallel_loop3A = arith.constant 0 : i32
      %parallel_loop3A_91 = arith.constant 8192 : i32
      %parallel_loop3A_92 = arith.constant 16 : i32
      scf.for %parallel_loop3A_175 = %parallel_loop3A to %parallel_loop3A_91 step %parallel_loop3A_92  : i32 {
        %parallel_loop3A_176 = arith.index_cast %parallel_loop3A_175 : i32 to index
        %parallel_loop3A_177 = tpu.vector_load %arg5[%parallel_loop3A_176] {strides = array<i32>} : memref<8192xf32, #tpu.memory_space<vmem>>, vector<16xf32>,
        %parallel_loop3A_178 = arith.constant 2.900000e+01 : f32
        %parallel_loop3A_179 = vector.broadcast %parallel_loop3A_178 : f32 to vector<16xf32>
        %parallel_loop3A_180 = arith.mulf %parallel_loop3A_177, %parallel_loop3A_179 : vector<16xf32>
        %parallel_loop3A_181 = arith.constant 28.9999981 : f32
        %parallel_loop3A_182 = vector.broadcast %parallel_loop3A_181 : f32 to vector<16xf32>
        %parallel_loop3A_183 = arith.minimumf %parallel_loop3A_180, %parallel_loop3A_182 : vector<16xf32>
        %parallel_loop3A_184 = arith.fptosi %parallel_loop3A_183 : vector<16xf32> to vector<16xi32>
        %parallel_loop3A_185 = tpu.vector_load_idx %arg14[%parallel_loop3A_184] : memref<32xf32, #tpu.memory_space<vmem>>[vector<16xi32>], vector<16xf32>,
        %parallel_loop3A_186 = tpu.vector_load_idx %arg15[%parallel_loop3A_184] : memref<32xf32, #tpu.memory_space<vmem>>[vector<16xi32>], vector<16xf32>,
        %parallel_loop3A_187 = arith.mulf %parallel_loop3A_186, %parallel_loop3A_177 : vector<16xf32>
        %parallel_loop3A_188 = arith.addf %parallel_loop3A_185, %parallel_loop3A_187 : vector<16xf32>
        %parallel_loop3A_189 = arith.index_cast %parallel_loop3A_175 : i32 to index
        %parallel_loop3A_190 = tpu.vector_load %arg9[%parallel_loop3A_189] {strides = array<i32>} : memref<8192xf32, #tpu.memory_space<vmem>>, vector<16xf32>,
        tpu.vector_store %arg9[%parallel_loop3A_189], %parallel_loop3A_188 {strides = array<i32>} : memref<8192xf32, #tpu.memory_space<vmem>>, vector<16xf32>,
      } {sc.loop_unroll_factor = 8 : i64, sc.parallel_access}
      %mul3A_93 = arith.constant 8192 : i32
      %mul3A_94 = arith.muli %add3A_90, %mul3A_93 : i32
      %add3A_95 = arith.addi %mul3A_2, %mul3A_94 : i32
      %dma_start3A_96 = tpu.memref_slice %arg4[%add3A_95] : memref<16777216xf32, #tpu.memory_space<hbm>> -> memref<8192xf32, #tpu.memory_space<hbm>>
      %dma_start3A_97 = tpu.memref_slice %arg4[%add3A_95] : memref<16777216xf32, #tpu.memory_space<hbm>> -> memref<8192xf32, #tpu.memory_space<hbm>>
      tpu.enqueue_dma source(%arg9 : memref<8192xf32, #tpu.memory_space<vmem>>) target(%dma_start3A_97 : memref<8192xf32, #tpu.memory_space<hbm>>) target_semaphore(%arg20 : memref<!tpu.dma_semaphore, #tpu.memory_space<semaphore_mem>>)
      %lt3A = arith.constant 15 : i32
      %lt3A_98 = arith.cmpi slt, %scan3A_78, %lt3A : i32
      %convert_element_type3A_99 = arith.extui %lt3A_98 : i1 to i32
      %cond3A_100 = arith.constant 0 : i32
      %cond3A_101 = arith.cmpi ne, %convert_element_type3A_99, %cond3A_100 : i32
      scf.if %cond3A_101 {
        %add3A_175 = arith.constant 0 : i32
        %add3A_176 = arith.addi %mul3A_81, %add3A_175 : i32
        %add3A_177 = arith.constant 4 : i32
        %add3A_178 = arith.addi %add3A_176, %add3A_177 : i32
        %mul3A_179 = arith.constant 8192 : i32
        %mul3A_180 = arith.muli %add3A_178, %mul3A_179 : i32
        %add3A_181 = arith.addi %mul3A_2, %mul3A_180 : i32
        %dma_start3A_182 = tpu.memref_slice %arg2[%add3A_181] : memref<16777216xf32, #tpu.memory_space<hbm>> -> memref<8192xf32, #tpu.memory_space<hbm>>
        %dma_start3A_183 = tpu.memref_slice %arg2[%add3A_181] : memref<16777216xf32, #tpu.memory_space<hbm>> -> memref<8192xf32, #tpu.memory_space<hbm>>
        tpu.enqueue_dma source(%dma_start3A_183 : memref<8192xf32, #tpu.memory_space<hbm>>) target(%arg5 : memref<8192xf32, #tpu.memory_space<vmem>>) target_semaphore(%arg16 : memref<!tpu.dma_semaphore, #tpu.memory_space<semaphore_mem>>)
      } else {
      }
      %dma_wait3A_102 = arith.constant 0 : i32
      %dma_wait3A_103 = tpu.memref_slice %arg2[%dma_wait3A_102] : memref<16777216xf32, #tpu.memory_space<hbm>> -> memref<8192xf32, #tpu.memory_space<hbm>>
      %dma_wait3A_104 = arith.constant 0 : i32
      %dma_wait3A_105 = tpu.memref_slice %arg2[%dma_wait3A_104] : memref<16777216xf32, #tpu.memory_space<hbm>> -> memref<8192xf32, #tpu.memory_space<hbm>>
      tpu.wait_dma2 semaphore(%arg17 : memref<!tpu.dma_semaphore, #tpu.memory_space<semaphore_mem>>) src(%dma_wait3A_105 : memref<8192xf32, #tpu.memory_space<hbm>>) dst(%arg6 : memref<8192xf32, #tpu.memory_space<vmem>>)
      %gt3A_106 = arith.constant 0 : i32
      %gt3A_107 = arith.cmpi sgt, %scan3A_78, %gt3A_106 : i32
      %convert_element_type3A_108 = arith.extui %gt3A_107 : i1 to i32
      %cond3A_109 = arith.constant 0 : i32
      %cond3A_110 = arith.cmpi ne, %convert_element_type3A_108, %cond3A_109 : i32
      scf.if %cond3A_110 {
        %dma_wait3A_175 = arith.constant 0 : i32
        %dma_wait3A_176 = tpu.memref_slice %arg4[%dma_wait3A_175] : memref<16777216xf32, #tpu.memory_space<hbm>> -> memref<8192xf32, #tpu.memory_space<hbm>>
        %dma_wait3A_177 = arith.constant 0 : i32
        %dma_wait3A_178 = tpu.memref_slice %arg4[%dma_wait3A_177] : memref<16777216xf32, #tpu.memory_space<hbm>> -> memref<8192xf32, #tpu.memory_space<hbm>>
        tpu.wait_dma2 semaphore(%arg21 : memref<!tpu.dma_semaphore, #tpu.memory_space<semaphore_mem>>) src(%arg10 : memref<8192xf32, #tpu.memory_space<vmem>>) dst(%dma_wait3A_178 : memref<8192xf32, #tpu.memory_space<hbm>>)
      } else {
      }
      %add3A_111 = arith.constant 1 : i32
      %add3A_112 = arith.addi %mul3A_81, %add3A_111 : i32
      %parallel_loop3A_113 = arith.constant 0 : i32
      %parallel_loop3A_114 = arith.constant 8192 : i32
      %parallel_loop3A_115 = arith.constant 16 : i32
      scf.for %parallel_loop3A_175 = %parallel_loop3A_113 to %parallel_loop3A_114 step %parallel_loop3A_115  : i32 {
        %parallel_loop3A_176 = arith.index_cast %parallel_loop3A_175 : i32 to index
        %parallel_loop3A_177 = tpu.vector_load %arg6[%parallel_loop3A_176] {strides = array<i32>} : memref<8192xf32, #tpu.memory_space<vmem>>, vector<16xf32>,
        %parallel_loop3A_178 = arith.constant 2.900000e+01 : f32
        %parallel_loop3A_179 = vector.broadcast %parallel_loop3A_178 : f32 to vector<16xf32>
        %parallel_loop3A_180 = arith.mulf %parallel_loop3A_177, %parallel_loop3A_179 : vector<16xf32>
        %parallel_loop3A_181 = arith.constant 28.9999981 : f32
        %parallel_loop3A_182 = vector.broadcast %parallel_loop3A_181 : f32 to vector<16xf32>
        %parallel_loop3A_183 = arith.minimumf %parallel_loop3A_180, %parallel_loop3A_182 : vector<16xf32>
        %parallel_loop3A_184 = arith.fptosi %parallel_loop3A_183 : vector<16xf32> to vector<16xi32>
        %parallel_loop3A_185 = tpu.vector_load_idx %arg14[%parallel_loop3A_184] : memref<32xf32, #tpu.memory_space<vmem>>[vector<16xi32>], vector<16xf32>,
        %parallel_loop3A_186 = tpu.vector_load_idx %arg15[%parallel_loop3A_184] : memref<32xf32, #tpu.memory_space<vmem>>[vector<16xi32>], vector<16xf32>,
        %parallel_loop3A_187 = arith.mulf %parallel_loop3A_186, %parallel_loop3A_177 : vector<16xf32>
        %parallel_loop3A_188 = arith.addf %parallel_loop3A_185, %parallel_loop3A_187 : vector<16xf32>
        %parallel_loop3A_189 = arith.index_cast %parallel_loop3A_175 : i32 to index
        %parallel_loop3A_190 = tpu.vector_load %arg10[%parallel_loop3A_189] {strides = array<i32>} : memref<8192xf32, #tpu.memory_space<vmem>>, vector<16xf32>,
        tpu.vector_store %arg10[%parallel_loop3A_189], %parallel_loop3A_188 {strides = array<i32>} : memref<8192xf32, #tpu.memory_space<vmem>>, vector<16xf32>,
      } {sc.loop_unroll_factor = 8 : i64, sc.parallel_access}
      %mul3A_116 = arith.constant 8192 : i32
      %mul3A_117 = arith.muli %add3A_112, %mul3A_116 : i32
      %add3A_118 = arith.addi %mul3A_2, %mul3A_117 : i32
      %dma_start3A_119 = tpu.memref_slice %arg4[%add3A_118] : memref<16777216xf32, #tpu.memory_space<hbm>> -> memref<8192xf32, #tpu.memory_space<hbm>>
      %dma_start3A_120 = tpu.memref_slice %arg4[%add3A_118] : memref<16777216xf32, #tpu.memory_space<hbm>> -> memref<8192xf32, #tpu.memory_space<hbm>>
      tpu.enqueue_dma source(%arg10 : memref<8192xf32, #tpu.memory_space<vmem>>) target(%dma_start3A_120 : memref<8192xf32, #tpu.memory_space<hbm>>) target_semaphore(%arg21 : memref<!tpu.dma_semaphore, #tpu.memory_space<semaphore_mem>>)
      %lt3A_121 = arith.constant 15 : i32
      %lt3A_122 = arith.cmpi slt, %scan3A_78, %lt3A_121 : i32
      %convert_element_type3A_123 = arith.extui %lt3A_122 : i1 to i32
      %cond3A_124 = arith.constant 0 : i32
      %cond3A_125 = arith.cmpi ne, %convert_element_type3A_123, %cond3A_124 : i32
      scf.if %cond3A_125 {
        %add3A_175 = arith.constant 1 : i32
        %add3A_176 = arith.addi %mul3A_81, %add3A_175 : i32
        %add3A_177 = arith.constant 4 : i32
        %add3A_178 = arith.addi %add3A_176, %add3A_177 : i32
        %mul3A_179 = arith.constant 8192 : i32
        %mul3A_180 = arith.muli %add3A_178, %mul3A_179 : i32
        %add3A_181 = arith.addi %mul3A_2, %mul3A_180 : i32
        %dma_start3A_182 = tpu.memref_slice %arg2[%add3A_181] : memref<16777216xf32, #tpu.memory_space<hbm>> -> memref<8192xf32, #tpu.memory_space<hbm>>
        %dma_start3A_183 = tpu.memref_slice %arg2[%add3A_181] : memref<16777216xf32, #tpu.memory_space<hbm>> -> memref<8192xf32, #tpu.memory_space<hbm>>
        tpu.enqueue_dma source(%dma_start3A_183 : memref<8192xf32, #tpu.memory_space<hbm>>) target(%arg6 : memref<8192xf32, #tpu.memory_space<vmem>>) target_semaphore(%arg17 : memref<!tpu.dma_semaphore, #tpu.memory_space<semaphore_mem>>)
      } else {
      }
      %dma_wait3A_126 = arith.constant 0 : i32
      %dma_wait3A_127 = tpu.memref_slice %arg2[%dma_wait3A_126] : memref<16777216xf32, #tpu.memory_space<hbm>> -> memref<8192xf32, #tpu.memory_space<hbm>>
      %dma_wait3A_128 = arith.constant 0 : i32
      %dma_wait3A_129 = tpu.memref_slice %arg2[%dma_wait3A_128] : memref<16777216xf32, #tpu.memory_space<hbm>> -> memref<8192xf32, #tpu.memory_space<hbm>>
      tpu.wait_dma2 semaphore(%arg18 : memref<!tpu.dma_semaphore, #tpu.memory_space<semaphore_mem>>) src(%dma_wait3A_129 : memref<8192xf32, #tpu.memory_space<hbm>>) dst(%arg7 : memref<8192xf32, #tpu.memory_space<vmem>>)
      %gt3A_130 = arith.constant 0 : i32
      %gt3A_131 = arith.cmpi sgt, %scan3A_78, %gt3A_130 : i32
      %convert_element_type3A_132 = arith.extui %gt3A_131 : i1 to i32
      %cond3A_133 = arith.constant 0 : i32
      %cond3A_134 = arith.cmpi ne, %convert_element_type3A_132, %cond3A_133 : i32
      scf.if %cond3A_134 {
        %dma_wait3A_175 = arith.constant 0 : i32
        %dma_wait3A_176 = tpu.memref_slice %arg4[%dma_wait3A_175] : memref<16777216xf32, #tpu.memory_space<hbm>> -> memref<8192xf32, #tpu.memory_space<hbm>>
        %dma_wait3A_177 = arith.constant 0 : i32
        %dma_wait3A_178 = tpu.memref_slice %arg4[%dma_wait3A_177] : memref<16777216xf32, #tpu.memory_space<hbm>> -> memref<8192xf32, #tpu.memory_space<hbm>>
        tpu.wait_dma2 semaphore(%arg22 : memref<!tpu.dma_semaphore, #tpu.memory_space<semaphore_mem>>) src(%arg11 : memref<8192xf32, #tpu.memory_space<vmem>>) dst(%dma_wait3A_178 : memref<8192xf32, #tpu.memory_space<hbm>>)
      } else {
      }
      %add3A_135 = arith.constant 2 : i32
      %add3A_136 = arith.addi %mul3A_81, %add3A_135 : i32
      %parallel_loop3A_137 = arith.constant 0 : i32
      %parallel_loop3A_138 = arith.constant 8192 : i32
      %parallel_loop3A_139 = arith.constant 16 : i32
      scf.for %parallel_loop3A_175 = %parallel_loop3A_137 to %parallel_loop3A_138 step %parallel_loop3A_139  : i32 {
        %parallel_loop3A_176 = arith.index_cast %parallel_loop3A_175 : i32 to index
        %parallel_loop3A_177 = tpu.vector_load %arg7[%parallel_loop3A_176] {strides = array<i32>} : memref<8192xf32, #tpu.memory_space<vmem>>, vector<16xf32>,
        %parallel_loop3A_178 = arith.constant 2.900000e+01 : f32
        %parallel_loop3A_179 = vector.broadcast %parallel_loop3A_178 : f32 to vector<16xf32>
        %parallel_loop3A_180 = arith.mulf %parallel_loop3A_177, %parallel_loop3A_179 : vector<16xf32>
        %parallel_loop3A_181 = arith.constant 28.9999981 : f32
        %parallel_loop3A_182 = vector.broadcast %parallel_loop3A_181 : f32 to vector<16xf32>
        %parallel_loop3A_183 = arith.minimumf %parallel_loop3A_180, %parallel_loop3A_182 : vector<16xf32>
        %parallel_loop3A_184 = arith.fptosi %parallel_loop3A_183 : vector<16xf32> to vector<16xi32>
        %parallel_loop3A_185 = tpu.vector_load_idx %arg14[%parallel_loop3A_184] : memref<32xf32, #tpu.memory_space<vmem>>[vector<16xi32>], vector<16xf32>,
        %parallel_loop3A_186 = tpu.vector_load_idx %arg15[%parallel_loop3A_184] : memref<32xf32, #tpu.memory_space<vmem>>[vector<16xi32>], vector<16xf32>,
        %parallel_loop3A_187 = arith.mulf %parallel_loop3A_186, %parallel_loop3A_177 : vector<16xf32>
        %parallel_loop3A_188 = arith.addf %parallel_loop3A_185, %parallel_loop3A_187 : vector<16xf32>
        %parallel_loop3A_189 = arith.index_cast %parallel_loop3A_175 : i32 to index
        %parallel_loop3A_190 = tpu.vector_load %arg11[%parallel_loop3A_189] {strides = array<i32>} : memref<8192xf32, #tpu.memory_space<vmem>>, vector<16xf32>,
        tpu.vector_store %arg11[%parallel_loop3A_189], %parallel_loop3A_188 {strides = array<i32>} : memref<8192xf32, #tpu.memory_space<vmem>>, vector<16xf32>,
      } {sc.loop_unroll_factor = 8 : i64, sc.parallel_access}
      %mul3A_140 = arith.constant 8192 : i32
      %mul3A_141 = arith.muli %add3A_136, %mul3A_140 : i32
      %add3A_142 = arith.addi %mul3A_2, %mul3A_141 : i32
      %dma_start3A_143 = tpu.memref_slice %arg4[%add3A_142] : memref<16777216xf32, #tpu.memory_space<hbm>> -> memref<8192xf32, #tpu.memory_space<hbm>>
      %dma_start3A_144 = tpu.memref_slice %arg4[%add3A_142] : memref<16777216xf32, #tpu.memory_space<hbm>> -> memref<8192xf32, #tpu.memory_space<hbm>>
      tpu.enqueue_dma source(%arg11 : memref<8192xf32, #tpu.memory_space<vmem>>) target(%dma_start3A_144 : memref<8192xf32, #tpu.memory_space<hbm>>) target_semaphore(%arg22 : memref<!tpu.dma_semaphore, #tpu.memory_space<semaphore_mem>>)
      %lt3A_145 = arith.constant 15 : i32
      %lt3A_146 = arith.cmpi slt, %scan3A_78, %lt3A_145 : i32
      %convert_element_type3A_147 = arith.extui %lt3A_146 : i1 to i32
      %cond3A_148 = arith.constant 0 : i32
      %cond3A_149 = arith.cmpi ne, %convert_element_type3A_147, %cond3A_148 : i32
      scf.if %cond3A_149 {
        %add3A_175 = arith.constant 2 : i32
        %add3A_176 = arith.addi %mul3A_81, %add3A_175 : i32
        %add3A_177 = arith.constant 4 : i32
        %add3A_178 = arith.addi %add3A_176, %add3A_177 : i32
        %mul3A_179 = arith.constant 8192 : i32
        %mul3A_180 = arith.muli %add3A_178, %mul3A_179 : i32
        %add3A_181 = arith.addi %mul3A_2, %mul3A_180 : i32
        %dma_start3A_182 = tpu.memref_slice %arg2[%add3A_181] : memref<16777216xf32, #tpu.memory_space<hbm>> -> memref<8192xf32, #tpu.memory_space<hbm>>
        %dma_start3A_183 = tpu.memref_slice %arg2[%add3A_181] : memref<16777216xf32, #tpu.memory_space<hbm>> -> memref<8192xf32, #tpu.memory_space<hbm>>
        tpu.enqueue_dma source(%dma_start3A_183 : memref<8192xf32, #tpu.memory_space<hbm>>) target(%arg7 : memref<8192xf32, #tpu.memory_space<vmem>>) target_semaphore(%arg18 : memref<!tpu.dma_semaphore, #tpu.memory_space<semaphore_mem>>)
      } else {
      }
      %dma_wait3A_150 = arith.constant 0 : i32
      %dma_wait3A_151 = tpu.memref_slice %arg2[%dma_wait3A_150] : memref<16777216xf32, #tpu.memory_space<hbm>> -> memref<8192xf32, #tpu.memory_space<hbm>>
      %dma_wait3A_152 = arith.constant 0 : i32
      %dma_wait3A_153 = tpu.memref_slice %arg2[%dma_wait3A_152] : memref<16777216xf32, #tpu.memory_space<hbm>> -> memref<8192xf32, #tpu.memory_space<hbm>>
      tpu.wait_dma2 semaphore(%arg19 : memref<!tpu.dma_semaphore, #tpu.memory_space<semaphore_mem>>) src(%dma_wait3A_153 : memref<8192xf32, #tpu.memory_space<hbm>>) dst(%arg8 : memref<8192xf32, #tpu.memory_space<vmem>>)
      %gt3A_154 = arith.constant 0 : i32
      %gt3A_155 = arith.cmpi sgt, %scan3A_78, %gt3A_154 : i32
      %convert_element_type3A_156 = arith.extui %gt3A_155 : i1 to i32
      %cond3A_157 = arith.constant 0 : i32
      %cond3A_158 = arith.cmpi ne, %convert_element_type3A_156, %cond3A_157 : i32
      scf.if %cond3A_158 {
        %dma_wait3A_175 = arith.constant 0 : i32
        %dma_wait3A_176 = tpu.memref_slice %arg4[%dma_wait3A_175] : memref<16777216xf32, #tpu.memory_space<hbm>> -> memref<8192xf32, #tpu.memory_space<hbm>>
        %dma_wait3A_177 = arith.constant 0 : i32
        %dma_wait3A_178 = tpu.memref_slice %arg4[%dma_wait3A_177] : memref<16777216xf32, #tpu.memory_space<hbm>> -> memref<8192xf32, #tpu.memory_space<hbm>>
        tpu.wait_dma2 semaphore(%arg23 : memref<!tpu.dma_semaphore, #tpu.memory_space<semaphore_mem>>) src(%arg12 : memref<8192xf32, #tpu.memory_space<vmem>>) dst(%dma_wait3A_178 : memref<8192xf32, #tpu.memory_space<hbm>>)
      } else {
      }
      %add3A_159 = arith.constant 3 : i32
      %add3A_160 = arith.addi %mul3A_81, %add3A_159 : i32
      %parallel_loop3A_161 = arith.constant 0 : i32
      %parallel_loop3A_162 = arith.constant 8192 : i32
      %parallel_loop3A_163 = arith.constant 16 : i32
      scf.for %parallel_loop3A_175 = %parallel_loop3A_161 to %parallel_loop3A_162 step %parallel_loop3A_163  : i32 {
        %parallel_loop3A_176 = arith.index_cast %parallel_loop3A_175 : i32 to index
        %parallel_loop3A_177 = tpu.vector_load %arg8[%parallel_loop3A_176] {strides = array<i32>} : memref<8192xf32, #tpu.memory_space<vmem>>, vector<16xf32>,
        %parallel_loop3A_178 = arith.constant 2.900000e+01 : f32
        %parallel_loop3A_179 = vector.broadcast %parallel_loop3A_178 : f32 to vector<16xf32>
        %parallel_loop3A_180 = arith.mulf %parallel_loop3A_177, %parallel_loop3A_179 : vector<16xf32>
        %parallel_loop3A_181 = arith.constant 28.9999981 : f32
        %parallel_loop3A_182 = vector.broadcast %parallel_loop3A_181 : f32 to vector<16xf32>
        %parallel_loop3A_183 = arith.minimumf %parallel_loop3A_180, %parallel_loop3A_182 : vector<16xf32>
        %parallel_loop3A_184 = arith.fptosi %parallel_loop3A_183 : vector<16xf32> to vector<16xi32>
        %parallel_loop3A_185 = tpu.vector_load_idx %arg14[%parallel_loop3A_184] : memref<32xf32, #tpu.memory_space<vmem>>[vector<16xi32>], vector<16xf32>,
        %parallel_loop3A_186 = tpu.vector_load_idx %arg15[%parallel_loop3A_184] : memref<32xf32, #tpu.memory_space<vmem>>[vector<16xi32>], vector<16xf32>,
        %parallel_loop3A_187 = arith.mulf %parallel_loop3A_186, %parallel_loop3A_177 : vector<16xf32>
        %parallel_loop3A_188 = arith.addf %parallel_loop3A_185, %parallel_loop3A_187 : vector<16xf32>
        %parallel_loop3A_189 = arith.index_cast %parallel_loop3A_175 : i32 to index
        %parallel_loop3A_190 = tpu.vector_load %arg12[%parallel_loop3A_189] {strides = array<i32>} : memref<8192xf32, #tpu.memory_space<vmem>>, vector<16xf32>,
        tpu.vector_store %arg12[%parallel_loop3A_189], %parallel_loop3A_188 {strides = array<i32>} : memref<8192xf32, #tpu.memory_space<vmem>>, vector<16xf32>,
      } {sc.loop_unroll_factor = 8 : i64, sc.parallel_access}
      %mul3A_164 = arith.constant 8192 : i32
      %mul3A_165 = arith.muli %add3A_160, %mul3A_164 : i32
      %add3A_166 = arith.addi %mul3A_2, %mul3A_165 : i32
      %dma_start3A_167 = tpu.memref_slice %arg4[%add3A_166] : memref<16777216xf32, #tpu.memory_space<hbm>> -> memref<8192xf32, #tpu.memory_space<hbm>>
      %dma_start3A_168 = tpu.memref_slice %arg4[%add3A_166] : memref<16777216xf32, #tpu.memory_space<hbm>> -> memref<8192xf32, #tpu.memory_space<hbm>>
      tpu.enqueue_dma source(%arg12 : memref<8192xf32, #tpu.memory_space<vmem>>) target(%dma_start3A_168 : memref<8192xf32, #tpu.memory_space<hbm>>) target_semaphore(%arg23 : memref<!tpu.dma_semaphore, #tpu.memory_space<semaphore_mem>>)
      %lt3A_169 = arith.constant 15 : i32
      %lt3A_170 = arith.cmpi slt, %scan3A_78, %lt3A_169 : i32
      %convert_element_type3A_171 = arith.extui %lt3A_170 : i1 to i32
      %cond3A_172 = arith.constant 0 : i32
      %cond3A_173 = arith.cmpi ne, %convert_element_type3A_171, %cond3A_172 : i32
      scf.if %cond3A_173 {
        %add3A_175 = arith.constant 3 : i32
        %add3A_176 = arith.addi %mul3A_81, %add3A_175 : i32
        %add3A_177 = arith.constant 4 : i32
        %add3A_178 = arith.addi %add3A_176, %add3A_177 : i32
        %mul3A_179 = arith.constant 8192 : i32
        %mul3A_180 = arith.muli %add3A_178, %mul3A_179 : i32
        %add3A_181 = arith.addi %mul3A_2, %mul3A_180 : i32
        %dma_start3A_182 = tpu.memref_slice %arg2[%add3A_181] : memref<16777216xf32, #tpu.memory_space<hbm>> -> memref<8192xf32, #tpu.memory_space<hbm>>
        %dma_start3A_183 = tpu.memref_slice %arg2[%add3A_181] : memref<16777216xf32, #tpu.memory_space<hbm>> -> memref<8192xf32, #tpu.memory_space<hbm>>
        tpu.enqueue_dma source(%dma_start3A_183 : memref<8192xf32, #tpu.memory_space<hbm>>) target(%arg8 : memref<8192xf32, #tpu.memory_space<vmem>>) target_semaphore(%arg19 : memref<!tpu.dma_semaphore, #tpu.memory_space<semaphore_mem>>)
      } else {
      }
      %scan3A_174 = arith.constant 0 : i32
      scf.yield %scan3A_174 : i32
    }
    %scan3A_62 = arith.constant 16 : i32
    %dma_wait3A = arith.constant 0 : i32
    %dma_wait3A_63 = tpu.memref_slice %arg4[%dma_wait3A] : memref<16777216xf32, #tpu.memory_space<hbm>> -> memref<8192xf32, #tpu.memory_space<hbm>>
    %dma_wait3A_64 = arith.constant 0 : i32
    %dma_wait3A_65 = tpu.memref_slice %arg4[%dma_wait3A_64] : memref<16777216xf32, #tpu.memory_space<hbm>> -> memref<8192xf32, #tpu.memory_space<hbm>>
    tpu.wait_dma2 semaphore(%arg20 : memref<!tpu.dma_semaphore, #tpu.memory_space<semaphore_mem>>) src(%arg9 : memref<8192xf32, #tpu.memory_space<vmem>>) dst(%dma_wait3A_65 : memref<8192xf32, #tpu.memory_space<hbm>>)
    %dma_wait3A_66 = arith.constant 0 : i32
    %dma_wait3A_67 = tpu.memref_slice %arg4[%dma_wait3A_66] : memref<16777216xf32, #tpu.memory_space<hbm>> -> memref<8192xf32, #tpu.memory_space<hbm>>
    %dma_wait3A_68 = arith.constant 0 : i32
    %dma_wait3A_69 = tpu.memref_slice %arg4[%dma_wait3A_68] : memref<16777216xf32, #tpu.memory_space<hbm>> -> memref<8192xf32, #tpu.memory_space<hbm>>
    tpu.wait_dma2 semaphore(%arg21 : memref<!tpu.dma_semaphore, #tpu.memory_space<semaphore_mem>>) src(%arg10 : memref<8192xf32, #tpu.memory_space<vmem>>) dst(%dma_wait3A_69 : memref<8192xf32, #tpu.memory_space<hbm>>)
    %dma_wait3A_70 = arith.constant 0 : i32
    %dma_wait3A_71 = tpu.memref_slice %arg4[%dma_wait3A_70] : memref<16777216xf32, #tpu.memory_space<hbm>> -> memref<8192xf32, #tpu.memory_space<hbm>>
    %dma_wait3A_72 = arith.constant 0 : i32
    %dma_wait3A_73 = tpu.memref_slice %arg4[%dma_wait3A_72] : memref<16777216xf32, #tpu.memory_space<hbm>> -> memref<8192xf32, #tpu.memory_space<hbm>>
    tpu.wait_dma2 semaphore(%arg22 : memref<!tpu.dma_semaphore, #tpu.memory_space<semaphore_mem>>) src(%arg11 : memref<8192xf32, #tpu.memory_space<vmem>>) dst(%dma_wait3A_73 : memref<8192xf32, #tpu.memory_space<hbm>>)
    %dma_wait3A_74 = arith.constant 0 : i32
    %dma_wait3A_75 = tpu.memref_slice %arg4[%dma_wait3A_74] : memref<16777216xf32, #tpu.memory_space<hbm>> -> memref<8192xf32, #tpu.memory_space<hbm>>
    %dma_wait3A_76 = arith.constant 0 : i32
    %dma_wait3A_77 = tpu.memref_slice %arg4[%dma_wait3A_76] : memref<16777216xf32, #tpu.memory_space<hbm>> -> memref<8192xf32, #tpu.memory_space<hbm>>
    tpu.wait_dma2 semaphore(%arg23 : memref<!tpu.dma_semaphore, #tpu.memory_space<semaphore_mem>>) src(%arg12 : memref<8192xf32, #tpu.memory_space<vmem>>) dst(%dma_wait3A_77 : memref<8192xf32, #tpu.memory_space<hbm>>)
    return
  }
}

</mosaic_0001>

<sc_bundles>
// kernel: kernel.3.cloned.1.call-start
scs
__scs_entry_jumppad:
0x0: {  	(pc) =	sbr.rel $0x88, $3  }
0x1: {  	(tag) =	ssettag $0x0;
	lr =	simm.s32 $0x1  }
0x2: {  	[smem:$0x3F9F] =	sst lr;
	_ =	strace $0xD0000000  }
0x3: {  	_ = 	snop  }
0x4: {  	_ = 	snop  }
0x5: {  	_ = 	snop  }
0x6: {  	_ = 	snop  }
0x7: {  	_ = 	snop  }
__scs_overlays_trampoline_lowered:
0x8: {  	[smem:$0x3FAE] =	sst s0  }
0x9: {  	[smem:$0x3FAF] =	sst s1  }
0xa: {  	[smem:$0x3FB0] =	sst s2  }
0xb: {  	[smem:$0x3FB1] =	sst s3  }
0xc: {  	[smem:$0x3FB2] =	sst s4  }
0xd: {  	[smem:$0x3FB3] =	sst s5  }
0xe: {  	[smem:$0x3FB4] =	sst s6  }
0xf: {  	[smem:$0x3FB5] =	sst s7  }
0x10: {  	[smem:$0x3FB6] =	sst s8  }
0x11: {  	[smem:$0x3FB7] =	sst s9;
	s0 =	simm.s32 @!p0 $0x0  }
0x12: {  	s1 =	sld [smem:$0x3F9D];
	s0 =	simm.s32 @p0 $0x1  }
0x13: {  	[smem:$0x3FB8] =	sst s0;
	s0 =	simm.s32 @!p1 $0x0  }
0x14: {  	s2 =	sld [smem:$0x3F9C];
	s0 =	simm.s32 @p1 $0x1  }
0x15: {  	[smem:$0x3FB9] =	sst s0;
	s0 =	simm.s32 @!p2 $0x0  }
0x16: {  	s3 =	sld [smem:$0x3FDB];
	s0 =	simm.s32 @p2 $0x1  }
0x17: {  	s4 =	simm.s32 $0x1BF5;
	[smem:$0x3FBB] =	sst s0  }
0x18: {  	s0 =	sld [smem:$0x3F9E];
	_ =	swait.ge [sflag:s4], $0x0  }
0x19: {  	s7 =	sld [smem:$0x3F9F]  }
0x1a: {  	s8 =	sadd.s32 $0xFFFFE003, lr  }
0x1b: {  	s9 =	sadd.s32 $0xFFFFFEF7, lr;
	s5 =	simm.s32 $0xFFFFFFFF;
	p2 =	slt.u32 s8, $0xFFFFF086  }
0x1c: {  	p1 =	slt.u32 s9, $0xF7A;
	s5 =	simm.s32 @!p2 $0x0  }
0x1d: {  	s5 =	simm.s32 @p1 $0x1;
	p0 =	seq.s32 s7, s2  }
0x1e: {  	s7 =	smul.u32 @!p0 $0xF7A, s2;
	p2 =	seq.s32 @!p0 s5, $0x0  }
0x1f: {  	s9 =	smul.u32 $0xF7A, s1;
	s8 =	simm.s32 @!p0 $0x1BF5;
	p2 =	por !p2, p0  }
0x20: {  	[sflag:s8] =	ssyncset.s32 @!p0 $0xFFFFF086;
	s6 =	sadd.s32 @!p0 s3, s7;
	s7 =	simm.s32 @!p0 $0x108  }
0x21: {  	s3 =	sadd.s32 s3, s9;
	s6 =	sadd.s32 @!p0 $0x88, s6;
	s7 =	simm.s32 @p2 $0x1082  }
0x22: {  	[simem:s7], [sflag:s8] =	dma.local @!p0 [hbm:s6], $0xF7A  }
0x23: {  	s9 =	sor.u32 $0xD0000000, s2;
	s6 =	simm.s32 $0x108;
	_ =	swait.ge @!p0 [sflag:s8], $0x0  }
0x24: {  	s3 =	sadd.s32 $0x88, s3;
	s6 =	simm.s32 @!p1 $0x1082;
	[sflag:s4] =	ssyncset.s32 $0xFFFFF086  }
0x25: {  	[simem:s6], [sflag:s4] =	dma.local [hbm:s3], $0xF7A  }
0x26: {  	[smem:$0x3F9F] =	sst s1;
	(tag) =	ssettag s2;
	_ =	strace s9  }
0x27: {  	s1 =	sld [smem:$0x3FAF]  }
0x28: {  	s2 =	sld [smem:$0x3FB0]  }
0x29: {  	s4 =	sld [smem:$0x3FB2]  }
0x2a: {  	p0 =	seq.s32 s5, $0x0;
	s5 =	sld [smem:$0x3FB3]  }
0x2b: {  	s6 =	sld [smem:$0x3FB4]  }
0x2c: {  	s7 =	sld [smem:$0x3FB5]  }
0x2d: {  	s3 =	simm.s32 $0x108;
	s8 =	sld [smem:$0x3FB6]  }
0x2e: {  	s3 =	simm.s32 @!p0 $0x1082;
	s9 =	sld [smem:$0x3FB7]  }
0x2f: {  	lr =	sadd.s32 s0, s3;
	s0 =	sld [smem:$0x3FAE]  }
0x30: {  	s3 =	sld [smem:$0x3FB1]  }
0x31: {  	[smem:$0x3FBA] =	sst s10  }
0x32: {  	s10 =	sld [smem:$0x3FB8];
	_ =	sdelay $0x3  }
0x33: {  	p0 =	seq.s32 s10, $0x1;
	s10 =	sld [smem:$0x3FBA];
	_ =	sdelay $0x3  }
0x34: {  	[smem:$0x3FBA] =	sst s10  }
0x35: {  	s10 =	sld [smem:$0x3FB9];
	_ =	sdelay $0x3  }
0x36: {  	p1 =	seq.s32 s10, $0x1;
	s10 =	sld [smem:$0x3FBA];
	_ =	sdelay $0x3  }
0x37: {  	[smem:$0x3FBA] =	sst s10  }
0x38: {  	s10 =	sld [smem:$0x3FBB]  }
0x39: {  	_ = 	snop;
	(pc) =	sbr.ind lr, $3  }
0x3a: {  	_ = 	snop  }
0x3b: {  	_ = 	snop  }
0x3c: {  	p2 =	seq.s32 s10, $0x1;
	s10 =	sld [smem:$0x3FBA]  }
0x3d: {  	_ =	shalt  }
0x3e: {  	_ =	shalt  }
0x3f: {  	_ =	shalt  }
0x40: {  	_ =	shalt  }
0x41: {  	_ =	shalt  }
0x42: {  	_ =	shalt  }
0x43: {  	_ =	shalt  }
0x44: {  	_ =	shalt  }
0x45: {  	_ =	shalt  }
0x46: {  	_ =	shalt  }
0x47: {  	_ =	shalt  }
0x48: {  	_ =	shalt  }
0x49: {  	_ =	shalt  }
0x4a: {  	_ =	shalt  }
0x4b: {  	_ =	shalt  }
0x4c: {  	_ =	shalt  }
0x4d: {  	_ =	shalt  }
0x4e: {  	_ =	shalt  }
0x4f: {  	_ =	shalt  }
0x50: {  	_ =	shalt  }
0x51: {  	_ =	shalt  }
0x52: {  	_ =	shalt  }
0x53: {  	_ =	shalt  }
0x54: {  	_ =	shalt  }
0x55: {  	_ =	shalt  }
0x56: {  	_ =	shalt  }
0x57: {  	_ =	shalt  }
0x58: {  	_ =	shalt  }
0x59: {  	_ =	shalt  }
0x5a: {  	_ =	shalt  }
0x5b: {  	_ =	shalt  }
0x5c: {  	_ =	shalt  }
0x5d: {  	_ =	shalt  }
0x5e: {  	_ =	shalt  }
0x5f: {  	_ =	shalt  }
0x60: {  	_ =	shalt  }
0x61: {  	_ =	shalt  }
0x62: {  	_ =	shalt  }
0x63: {  	_ =	shalt  }
0x64: {  	_ =	shalt  }
0x65: {  	_ =	shalt  }
0x66: {  	_ =	shalt  }
0x67: {  	_ =	shalt  }
0x68: {  	_ =	shalt  }
0x69: {  	_ =	shalt  }
0x6a: {  	_ =	shalt  }
0x6b: {  	_ =	shalt  }
0x6c: {  	_ =	shalt  }
0x6d: {  	_ =	shalt  }
0x6e: {  	_ =	shalt  }
0x6f: {  	_ =	shalt  }
0x70: {  	_ =	shalt  }
0x71: {  	_ =	shalt  }
0x72: {  	_ =	shalt  }
0x73: {  	_ =	shalt  }
0x74: {  	_ =	shalt  }
0x75: {  	_ =	shalt  }
0x76: {  	_ =	shalt  }
0x77: {  	_ =	shalt  }
0x78: {  	_ =	shalt  }
0x79: {  	_ =	shalt  }
0x7a: {  	_ =	shalt  }
0x7b: {  	_ =	shalt  }
0x7c: {  	_ =	shalt  }
0x7d: {  	_ =	shalt  }
0x7e: {  	_ =	shalt  }
0x7f: {  	_ =	shalt  }
0x80: {  	_ =	shalt  }
0x81: {  	_ =	shalt  }
0x82: {  	_ =	shalt  }
0x83: {  	_ =	shalt  }
0x84: {  	_ =	shalt  }
0x85: {  	_ =	shalt  }
0x86: {  	_ =	shalt  }
0x87: {  	_ =	shalt  }
.Lfunc_end0:
.L_simem_size_0:
called_computation_lowered:
.L_overlay_start_0:
0x88: {  	s2 =	sld [smem:$0x3FD9]  }
0x89: {  	s3 =	sld [smem:$0x3FFE];
	_ =	sdelay $0x1  }
0x8a: {  	s1 =	srdreg.scid  }
0x8b: {  	s0 =	sand.u32 $0x1, s1  }
0x8c: {  	s18 =	sshll.u32 s0, $0xA;
	s2 =	sadd.s32 s3, s2  }
0x8d: {  	s2 =	sadd.s32 s2, s18  }
0x8e: {  	[smem:$0x3FC6] =	sst s2  }
0x8f: {  	_ = 	snop  }
0x90: {  	s2 =	sld [smem:$0x3FC9]  }
0x91: {  	s19 =	sld [smem:$0x3FC8]  }
0x92: {  	s4 =	sld [smem:$0x3FD0];
	(tm) =	ssettm $0x1  }
0x93: {  	s5 =	sld [smem:$0x3FFB];
	_ =	sdelay $0x3  }
0x94: {  	_ =	strace s5  }
0x95: {  	s5 =	sld [smem:$0x3FFC];
	_ =	sdelay $0x3  }
0x96: {  	_ =	strace s5  }
0x97: {  	s5 =	sld [smem:$0x3FFD];
	_ =	sdelay $0x3  }
0x98: {  	_ =	strace s5  }
0x99: {  	_ =	strace $0x8FFFFFFF  }
0x9a: {  	s20 =	sld [smem:$0x3FDB];
	_ =	sdelay $0x1  }
0x9b: {  	s6 =	simm.s32 $_scs_section_size  }
0x9c: {  	s7 =	simm.s32 $_size__tile_overlayer_lowered;
	s8 =	simm.s32 $_tile_overlayer_lowered  }
0x9d: {  	s23 =	simm.s32 $0x1BFF;
	s22 =	sshll.u32 s8, $0x1;
	s5 =	sadd.s32 s6, s20  }
0x9e: {  	s9 =	simm.s32 $0x0;
	s21 =	sshll.u32 s7, $0x1;
	s7 =	sadd.s32 s22, s5  }
0x9f: {  	[timem:s9], [sflag:s23] =	dma.local [hbm:s7], s21  }
0xa0: {  	_ =	swait.ge [sflag:s23], s21  }
0xa1: {  	s6 =	ssub.s32 $0x0, s21;
	[sflag:s23] =	ssyncset.done $0x0  }
0xa2: {  	[sflag:s23] =	ssyncadd.s32 s6;
	_ =	sdelay $0x1  }
0xa3: {  	s24 =	simm.s32 $0x1B8B  }
0xa4: {  	_ =	swait.ge [sflag:s24], $0x1  }
0xa5: {  	[sflag:s24] =	ssyncset.done $0x0  }
0xa6: {  	s25 =	simm.s32 $0x1B8E;
	[sflag:s24] =	ssyncadd.s32 $0xFFFFFFFF  }
0xa7: {  	s26 =	simm.s32 $execute0_lowered;
	[smem:$0x3FD2] =	sst s25  }
0xa8: {  	s6 =	sshll.u32 s26, $0x1;
	_ =	strace $0x80000046;
	[dreg:$0x1] =	wrdreg $0xFFFFFFFF  }
0xa9: {  	s28 =	simm.s32 $_size_execute0_lowered;
	s5 =	sadd.s32 s5, s6;
	[dreg:$0x0] =	wrdreg $0x0  }
0xaa: {  	s6 =	sshll.u32 s28, $0x1;
	[dreg:$0x2] =	wrdreg s5  }
0xab: {  	[dreg:$0x3] =	wrdreg s6  }
0xac: {  	[dreg:$0x4] =	wrdreg $0xC0  }
0xad: {  	_ =	task [dreg:s9], $0x5FFFF  }
0xae: {  	[dreg:$0x1] =	wrdreg $0xFFFFFFFF  }
0xaf: {  	[dreg:$0x0] =	wrdreg $0x60  }
0xb0: {  	[dreg:$0x2] =	wrdreg s2  }
0xb1: {  	[dreg:$0x3] =	wrdreg s19  }
0xb2: {  	[dreg:$0x4] =	wrdreg s4  }
0xb3: {  	[dreg:$0x5] =	wrdreg $0x9  }
0xb4: {  	_ =	task.clear_ibuf [dreg:s9], $0x6FFFF;
	_ =	strace $0x90000046  }
0xb5: {  	s29 =	simm.s32 $0x9;
	_ =	strace $0x80000048  }
0xb6: {  	_ =	swait.ge [sflag:s29], $0x1  }
0xb7: {  	[sflag:s29] =	ssyncadd.s32 $0xFFFFFFFF  }
0xb8: {  	_ =	strace $0x90000048  }
0xb9: {  	_ =	sfence  }
0xba: {  	s30 =	sld [smem:$0x0];
	_ =	sdelay $0x2  }
0xbb: {  	s31 =	sshll.u32 s1, $0xD;
	s1 =	sshrl.u32 s1, $0x2  }
0xbc: {  	s3 =	sand.u32 $0x4000, s31;
	s1 =	sadd.s32 s1, s30  }
0xbd: {  	s0 =	sor.u32 s3, s0;
	s1 =	sshll.u32 s1, $0x11  }
0xbe: {  	s0 =	sor.u32 s1, s0  }
0xbf: {  	s0 =	sadd.s32 $0x8F2B, s0  }
0xc0: {  	[sflag:s0] =	ssyncadd.remote.s32 $0x1  }
0xc1: {  	_ =	sfence.sel $0xFFFF  }
0xc2: {  	[dreg:$0x0] =	wrdreg $0xFFFFFFFF;
	(pc) =	sbr.abs _section_cstart, $3  }
0xc3: {  	[dreg:$0x1] =	wrdreg $0xFFFFFFFF  }
0xc4: {  	_ =	task.clear_ibuf [dreg:s9], $0x2FFFF;
	_ =	strace $0x9FFFFFFF  }
0xc5: {  	(tm) =	ssettm $0x7FFFFFFF  }
tec
execute0_lowered:
.L_overlay_start_1:
0x0: {  	(tag) =	ssettag $0x1  }
0x1: {  	v0 =	vimm.f32 $-5.172413590e-01  }
0x2: {  	vm0 =	vcmask $0x300;
	vm1 =	vcmask $0x704;
	v1 =	vimm.f32 $-1.068965550e+00  }
0x3: {  	vm2 =	vcmask $0xB08;
	vm4 =	vcmask $0xF0C;
	vm5 =	vcmask $0x1310  }
0x4: {  	s1 =	rddreg [dreg:$0x0];
	s0 =	srdreg.scid;
	vm6 =	vcmask $0x1714;
	vm7 =	vcmask $0x1B18;
	vm8 =	vcmask $0x1F1C  }
0x5: {  	s2 =	stileid.u32;
	s15 =	simm.s32 $0x2000;
	vm9 =	vcmask $0x2320;
	s16 =	simm.s32 $0x4000;
	v0 =	vsel vm0, $0x80000000, v0;
	v1 =	vsel vm0, $0xBF0D3DCB, v1  }
0x6: {  	s4 =	rddreg [dreg:$0x2];
	s5 =	simm.s32 $0x0;
	vm10 =	vcmask $0x2724;
	s17 =	simm.s32 $0x6000;
	v0 =	vsel vm1, $0xBD0D3DCB, v0;
	v1 =	vsel vm1, $0xBF1611A8, v1  }
0x7: {  	s21 =	simm.s32 $0x1;
	s22 =	simm.s32 $0x10080;
	s23 =	simm.s32 $0x10100;
	v0 =	vsel vm2, $0xBD8D3DCB, v0;
	v1 =	vsel vm2, $0xBF1EE584, v1  }
0x8: {  	vm11 =	vcmask $0x2B28;
	s28 =	simm.s32 $0xA000;
	s29 =	simm.s32 $0x3;
	s30 =	simm.s32 $0x7;
	v0 =	vsel vm4, $0xBDD3DCB0, v0;
	v1 =	vsel vm4, $0xBF27B961, v1  }
0x9: {  	s31 =	simm.s32 $0xC000;
	s0 =	sand.u32 $0x1, s0;
	s2 =	sshll.u32 s2, $0x14;
	v0 =	vsel vm5, $0xBE0D3DCB, v0;
	v1 =	vsel vm5, $0xBF308D3E, v1  }
0xa: {  	s8 =	simm.s32 $0x0;
	[smem:$0x7FF] =	sst s5;
	s3 =	sshll.u32 s0, $0x13;
	v0 =	vsel vm6, $0xBE308D3E, v0;
	v1 =	vsel vm6, $0xBF39611A, v1  }
0xb: {  	_ =	strace $0x80000047;
	s0 =	ssub.s32 $0x2, s0;
	s6 =	sor.u32 s3, s2;
	v0 =	vsel vm7, $0xBE53DCB0, v0;
	v1 =	vsel vm7, $0xBF4234F7, v1  }
0xc: {  	vm12 =	vcmask $0x2F2C;
	s26 =	sshrl.u32 s0, $0x1;
	s3 =	simm.s32 $0xE000;
	s2 =	sshrl.u32 s6, $0x3;
	v0 =	vsel vm8, $0xBE772C23, v0;
	v1 =	vsel vm8, $0xBF4B08D4, v1  }
0xd: {  	vm13 =	vcmask $0x3330;
	s11 =	sor.u32 $0x8000, s6;
	s0 =	ssub.s32 s0, s26;
	s2 =	sadd.s32 s1, s2;
	v0 =	vsel vm9, $0xBE8D3DCB, v0;
	v1 =	vsel vm9, $0xBF53DCB0, v1  }
0xe: {  	vm14 =	vcmask $0x3734;
	s12 =	sor.u32 $0xA000, s6;
	s0 =	smax.u32 s0, $0x1;
	[dreg:$0x4] =	wrdreg s2;
	v0 =	vsel vm10, $0xBE9EE584, v0;
	v1 =	vsel vm10, $0xBF5CB08D, v1  }
.Ltmp0:
0xf: {  	s24 =	sadd.s32 $0x400, s2;
	[dreg:$0x8] =	wrdreg s0;
	v0 =	vsel vm11, $0xBEB08D3E, v0;
	v1 =	vsel vm11, $0xBF65846A, v1;
	(pc) =	sbr.rel .LBB2_1-.Ltmp0, $4  }
0x10: {  	s13 =	sor.u32 $0xC000, s6;
	s25 =	sadd.s32 $0x800, s2;
	[dreg:$0x5] =	wrdreg s24;
	v0 =	vsel vm12, $0xBEC234F7, v0;
	v1 =	vsel vm12, $0xBF6E5847, v1  }
0x11: {  	s14 =	sor.u32 $0xE000, s6;
	s2 =	sadd.s32 $0xC00, s2;
	[dreg:$0x6] =	wrdreg s25;
	v0 =	vsel vm13, $0xBED3DCB0, v0;
	v1 =	vsel vm13, $0xBF772C23, v1  }
0x12: {  	vm15 =	vcmask $0x3B38;
	s26 =	simm.s32 $0x6;
	s0 =	simm.s32 $0x8;
	[dreg:$0x7] =	wrdreg s2;
	v0 =	vsel vm14, $0xBEE5846A, v0;
	v1 =	vsel vm14, $0xBF800000, v1  }
0x13: {  	s24 =	simm.s32 $0x8000;
	s25 =	simm.s32 $0x2;
	s2 =	simm.s32 $0x4;
	v0 =	vsel vm15, $0xBEF72C23, v0;
	v1 =	vsel vm15, $0xBF8469EE, v1  }
.LBB2_24:
0x14: {  	s7 =	simm.s32 $0x5  }
0x15: {  	_ =	swait.ge [sflag:s7], $0x2000  }
0x16: {  	[sflag:s7] =	ssyncset.done $0x0  }
0x17: {  	[sflag:s7] =	ssyncadd.s32 $0xFFFFE000  }
0x18: {  	_ =	swait.ge [sflag:s26], $0x2000  }
0x19: {  	[sflag:s26] =	ssyncset.done $0x0  }
0x1a: {  	[sflag:s26] =	ssyncadd.s32 $0xFFFFE000  }
0x1b: {  	_ =	swait.ge [sflag:s30], $0x2000  }
0x1c: {  	[sflag:s30] =	ssyncset.done $0x0  }
0x1d: {  	[sflag:s30] =	ssyncadd.s32 $0xFFFFE000  }
0x1e: {  	_ =	swait.ge [sflag:s0], $0x2000  }
0x1f: {  	s8 =	rddreg [dreg:$0x9]  }
0x20: {  	s20 =	rddreg [dreg:$0x8];
	s8 =	sadd.s32 $0x1, s8  }
0x21: {  	p0 =	sne.s32 s8, s20  }
.Ltmp1:
0x22: {  	_ = 	snop;
	(pc) =	sbr.rel @!p0 .LBB2_25-.Ltmp1, $3  }
0x23: {  	_ =	sdelay $0x1  }
0x24: {  	[sflag:s0] =	ssyncset.done $0x0  }
0x25: {  	[sflag:s0] =	ssyncadd.s32 $0xFFFFE000  }
.LBB2_1:
0x26: {  	[dreg:$0x9] =	wrdreg s8  }
0x27: {  	s7 =	rddreg [dreg:$0x4]  }
0x28: {  	[tilespmem:s5], [sflag:$0x1] =	stream.linear.gather [hbm4b:s7+s5], $0x2000, $0x38;
	[tilespmem:$0x10180] =	vst v63  }
0x29: {  	s8 =	rddreg [dreg:$0x5]  }
0x2a: {  	[tilespmem:s15], [sflag:$0x2] =	stream.linear.gather [hbm4b:s8+s5], $0x2000, $0x38;
	[tilespmem:$0x10180] =	vst v63  }
0x2b: {  	s9 =	rddreg [dreg:$0x6]  }
0x2c: {  	[tilespmem:s16], [sflag:$0x3] =	stream.linear.gather [hbm4b:s9+s5], $0x2000, $0x38;
	[tilespmem:$0x10180] =	vst v63  }
0x2d: {  	s10 =	rddreg [dreg:$0x7]  }
0x2e: {  	[tilespmem:s17], [sflag:$0x4] =	stream.linear.gather [hbm4b:s10+s5], $0x2000, $0x38;
	[tilespmem:$0x10180] =	vst v63  }
0x2f: {  	s18 =	rddreg [dreg:$0x1];
	s19 =	simm.s32 $0x10000;
	s20 =	simm.s32 $0x9  }
0x30: {  	[tilespmem:s19], [sflag:$0x9] =	stream.linear.gather [hbm4b:s18+s5], $0x1E, $0x38;
	[tilespmem:$0x10180] =	vst v63  }
0x31: {  	_ =	swait.ge [sflag:s20], $0x1E  }
0x32: {  	[sflag:s20] =	ssyncset.done $0x0  }
0x33: {  	[sflag:s20] =	ssyncadd.s32 $0xFFFFFFE2  }
0x34: {  	v2 =	vld [tilespmem:$0x10000]  }
0x35: {  	v3 =	vld [tilespmem:$0x10001]  }
0x36: {  	v4 =	vld [tilespmem:$0x10010]  }
0x37: {  	v5 =	vld [tilespmem:$0x10011];
	_ =	sdelay $0x2  }
0x38: {  	v3 =	vsub.f32 v3, v2;
	_ =	sdelay $0x1  }
0x39: {  	v5 =	vsub.f32 v5, v4;
	v3 =	vmul.f32 $2.900000000e+01, v3;
	_ =	sdelay $0x1  }
0x3a: {  	v5 =	vmul.f32 $2.900000000e+01, v5;
	v6 =	vmul.f32 v0, v3;
	_ =	sdelay $0x1  }
0x3b: {  	v63 =	vmul.f32 v1, v5;
	v2 =	vadd.f32 v6, v2  }
0x3c: {  	[tilespmem:$0x10100] =	vst v3  }
0x3d: {  	[tilespmem:$0x10080] =	vst v2;
	v2 =	vadd.f32 v63, v4  }
0x3e: {  	[tilespmem:$0x10110] =	vst v5  }
0x3f: {  	s9 =	simm.s32 $0x0;
	[tilespmem:$0x10090] =	vst v2  }
.LBB2_2:
0x40: {  	_ =	swait.ge [sflag:s21], $0x2000  }
0x41: {  	p0 =	seq.s32 s9, $0x0;
	[sflag:s21] =	ssyncset.done $0x0  }
0x42: {  	s7 =	simm.s32 @!p0 $0x5;
	[sflag:s21] =	ssyncadd.s32 $0xFFFFE000  }
0x43: {  	_ =	swait.ge @!p0 [sflag:s7], $0x2000  }
0x44: {  	[sflag:s7] =	ssyncset.done @!p0 $0x0  }
0x45: {  	s19 =	simm.s32 $0x40;
	[sflag:s7] =	ssyncadd.s32 @!p0 $0xFFFFE000  }
0x46: {  	v3 =	vld [tilespmem:s19+$0x30];
	_ =	sdelay $0x1  }
0x47: {  	v8 =	vld [tilespmem:s19+$0xFFFFFFD0]  }
0x48: {  	v9 =	vld [tilespmem:s19+$0xFFFFFFE0]  }
0x49: {  	v10 =	vld [tilespmem:s19+$0xFFFFFFC0]  }
0x4a: {  	v11 =	vld [tilespmem:s19+$0xFFFFFFF0];
	v2 =	vmul.f32 $2.900000000e+01, v3;
	_ =	sdelay $0x1  }
0x4b: {  	v4 =	vmul.f32 $2.900000000e+01, v8;
	v2 =	vmin.f32 v2, $2.899999810e+01  }
0x4c: {  	v5 =	vmul.f32 $2.900000000e+01, v9;
	v2 =	vtrunc.f32 v2  }
0x4d: {  	v13 =	vld [tilespmem:s19+$0x0];
	v6 =	vmul.f32 $2.900000000e+01, v10;
	v4 =	vmin.f32 v4, $2.899999810e+01;
	v2 =	vcvt.f32.s32 v2  }
0x4e: {  	v15 =	vld [tilespmem:s19+$0x10];
	v7 =	vmul.f32 $2.900000000e+01, v11;
	v5 =	vmin.f32 v5, $2.899999810e+01;
	v4 =	vtrunc.f32 v4  }
0x4f: {  	s20 =	simm.s32 $0xC0;
	v20 =	vld [tilespmem:s19+$0x20];
	v6 =	vmin.f32 v6, $2.899999810e+01;
	v5 =	vtrunc.f32 v5;
	v12 =	vcvt.f32.s32 v4  }
0x50: {  	v25 =	vld [tilespmem:s20+$0x30];
	v6 =	vtrunc.f32 v6;
	v14 =	vcvt.f32.s32 v5  }
0x51: {  	v16 =	vcvt.f32.s32 v6;
	v6 =	vld [tilespmem:s20+$0xFFFFFFD0]  }
0x52: {  	v4 =	vmin.f32 v7, $2.899999810e+01;
	v7 =	vld [tilespmem:s20+$0xFFFFFFE0]  }
0x53: {  	v4 =	vtrunc.f32 v4;
	v18 =	vld.idx.msk [tilespmem:v2+s23+$0x0], $0xffff  }
0x54: {  	v17 =	vcvt.f32.s32 v4;
	v4 =	vmul.f32 $2.900000000e+01, v15;
	v19 =	vld.idx.msk [tilespmem:v2+s22+$0x0], $0xffff  }
0x55: {  	v21 =	vld.idx.msk [tilespmem:v12+s23+$0x0], $0xffff  }
0x56: {  	v4 =	vmin.f32 v4, $2.899999810e+01;
	v22 =	vld.idx.msk [tilespmem:v14+s23+$0x0], $0xffff  }
0x57: {  	v4 =	vtrunc.f32 v4;
	v2 =	vmul.f32 $2.900000000e+01, v13;
	v23 =	vld.idx.msk [tilespmem:v16+s23+$0x0], $0xffff  }
0x58: {  	v5 =	vmul.f32 $2.900000000e+01, v20;
	v27 =	vcvt.f32.s32 v4;
	v4 =	vld [tilespmem:s20+$0x10]  }
0x59: {  	v16 =	vld.idx.msk [tilespmem:v16+s22+$0x0], $0xffff;
	v2 =	vmin.f32 v2, $2.899999810e+01  }
0x5a: {  	v29 =	vmul.f32 $2.900000000e+01, v25;
	v5 =	vmin.f32 v5, $2.899999810e+01;
	v12 =	vld.idx.msk [tilespmem:v12+s22+$0x0], $0xffff;
	v2 =	vtrunc.f32 v2  }
0x5b: {  	v24 =	vld.idx.msk [tilespmem:v17+s23+$0x0], $0xffff;
	v26 =	vcvt.f32.s32 v2;
	v2 =	vtrunc.f32 v5  }
0x5c: {  	v5 =	vld [tilespmem:s20+$0xFFFFFFF0];
	v28 =	vcvt.f32.s32 v2;
	v18 =	vmul.f32 v18, v3  }
0x5d: {  	v2 =	vld [tilespmem:s20+$0x0];
	v21 =	vmul.f32 v21, v8;
	v22 =	vmul.f32 v22, v9  }
0x5e: {  	v8 =	vld [tilespmem:s20+$0xFFFFFFC0];
	v9 =	vmin.f32 v29, $2.899999810e+01;
	v23 =	vmul.f32 v23, v10;
	v10 =	vmul.f32 $2.900000000e+01, v6  }
0x5f: {  	v3 =	vld [tilespmem:s20+$0x20];
	v35 =	vmul.f32 $2.900000000e+01, v4;
	v9 =	vtrunc.f32 v9  }
0x60: {  	v37 =	vld.idx.msk [tilespmem:v14+s22+$0x0], $0xffff;
	v30 =	vcvt.f32.s32 v9;
	v9 =	vmul.f32 $2.900000000e+01, v7;
	v10 =	vmin.f32 v10, $2.899999810e+01  }
0x61: {  	v59 =	vld.idx.msk [tilespmem:v17+s22+$0x0], $0xffff;
	v24 =	vmul.f32 v24, v11;
	v10 =	vtrunc.f32 v10  }
0x62: {  	v31 =	vld.idx.msk [tilespmem:v27+s23+$0x0], $0xffff;
	v11 =	vmul.f32 $2.900000000e+01, v5;
	v9 =	vmin.f32 v9, $2.899999810e+01;
	v33 =	vmul.f32 $2.900000000e+01, v2  }
0x63: {  	v17 =	vld.idx.msk [tilespmem:v27+s22+$0x0], $0xffff;
	v34 =	vmul.f32 $2.900000000e+01, v8;
	v36 =	vtrunc.f32 v9  }
0x64: {  	v58 =	vld.idx.msk [tilespmem:v26+s23+$0x0], $0xffff;
	v38 =	vmul.f32 $2.900000000e+01, v3;
	v9 =	vcvt.f32.s32 v10;
	v11 =	vmin.f32 v11, $2.899999810e+01  }
0x65: {  	v26 =	vld.idx.msk [tilespmem:v26+s22+$0x0], $0xffff;
	v10 =	vcvt.f32.s32 v36;
	v14 =	vmin.f32 v34, $2.899999810e+01;
	v11 =	vtrunc.f32 v11  }
0x66: {  	v18 =	vadd.f32 v18, v19;
	v14 =	vtrunc.f32 v14;
	v60 =	vld.idx.msk [tilespmem:v30+s23+$0x0], $0xffff;
	v11 =	vcvt.f32.s32 v11  }
0x67: {  	v19 =	vadd.f32 v23, v16;
	v32 =	vld.idx.msk [tilespmem:v28+s23+$0x0], $0xffff;
	v16 =	vmin.f32 v33, $2.899999810e+01;
	v14 =	vcvt.f32.s32 v14  }
0x68: {  	s18 =	simm.s32 $0x8040;
	v30 =	vld.idx.msk [tilespmem:v30+s22+$0x0], $0xffff;
	v33 =	vtrunc.f32 v16;
	v16 =	vmin.f32 v38, $2.899999810e+01  }
0x69: {  	v23 =	vmin.f32 v35, $2.899999810e+01;
	v21 =	vadd.f32 v21, v12;
	[tilespmem:s18+$0x30] =	vst v18;
	v27 =	vtrunc.f32 v16;
	v16 =	vld.idx.msk [tilespmem:v28+s22+$0x0], $0xffff  }
0x6a: {  	v62 =	vadd.f32 v22, v37;
	v23 =	vtrunc.f32 v23;
	[tilespmem:s18+$0xFFFFFFC0] =	vst v19;
	v61 =	vmul.f32 v58, v13;
	v18 =	vld.idx.msk [tilespmem:v9+s23+$0x0], $0xffff  }
0x6b: {  	v63 =	vadd.f32 v24, v59;
	[tilespmem:s18+$0xFFFFFFD0] =	vst v21;
	v12 =	vcvt.f32.s32 v33;
	v19 =	vld.idx.msk [tilespmem:v10+s23+$0x0], $0xffff;
	v24 =	vmul.f32 v60, v25  }
0x6c: {  	s10 =	sshll.u32 s9, $0xF;
	[tilespmem:s18+$0xFFFFFFE0] =	vst v62;
	v13 =	vcvt.f32.s32 v23;
	v23 =	vmul.f32 v31, v15;
	v25 =	vadd.f32 v61, v26;
	v21 =	vld.idx.msk [tilespmem:v11+s23+$0x0], $0xffff  }
0x6d: {  	s7 =	simm.s32 $0x8040;
	s19 =	simm.s32 $0x140;
	s20 =	simm.s32 $0x80;
	[tilespmem:s18+$0xFFFFFFF0] =	vst v63;
	v15 =	vcvt.f32.s32 v27;
	v20 =	vmul.f32 v32, v20;
	v22 =	vld.idx.msk [tilespmem:v14+s23+$0x0], $0xffff;
	v24 =	vadd.f32 v24, v30  }
.LBB2_3:
0x6e: {  	v26 =	vld [tilespmem:s19+$0x30];
	s20 =	sadd.s32 $0x80, s20;
	[tilespmem:s18+$0x0] =	vst v25;
	v17 =	vadd.f32 v23, v17;
	s7 =	sadd.s32 $0x80, s7  }
0x6f: {  	v16 =	vadd.f32 v20, v16;
	v23 =	vld [tilespmem:s19+$0xFFFFFFD0];
	p1 =	slt.u32 s20, $0x1F80;
	[tilespmem:s7+$0x30] =	vst v24  }
0x70: {  	v18 =	vmul.f32 v18, v6;
	v20 =	vld [tilespmem:s19+$0xFFFFFFE0];
	[tilespmem:s18+$0x10] =	vst v17  }
0x71: {  	v19 =	vmul.f32 v19, v7;
	v17 =	vld [tilespmem:s19+$0xFFFFFFF0];
	[tilespmem:s18+$0x20] =	vst v16;
	s18 =	smov.u32 s7  }
0x72: {  	v22 =	vmul.f32 v22, v8;
	v16 =	vld [tilespmem:s19+$0x0]  }
0x73: {  	v21 =	vmul.f32 v21, v5;
	v24 =	vld [tilespmem:s19+$0x10];
	v28 =	vmul.f32 $2.900000000e+01, v26  }
0x74: {  	v30 =	vmul.f32 $2.900000000e+01, v23;
	v25 =	vld [tilespmem:s19+$0x20];
	v6 =	vmov v23  }
0x75: {  	v8 =	vld [tilespmem:s19+$0xFFFFFFC0];
	v23 =	vmul.f32 $2.900000000e+01, v20;
	v27 =	vmin.f32 v28, $2.899999810e+01;
	v7 =	vmov v20  }
0x76: {  	v20 =	vmin.f32 v30, $2.899999810e+01;
	v28 =	vmul.f32 $2.900000000e+01, v17;
	v27 =	vtrunc.f32 v27;
	v29 =	vld.idx.msk [tilespmem:v12+s23+$0x0], $0xffff;
	v5 =	vmovc v17  }
0x77: {  	v17 =	vmin.f32 v23, $2.899999810e+01;
	v23 =	vmul.f32 $2.900000000e+01, v16;
	v27 =	vcvt.f32.s32 v27;
	v30 =	vld.idx.msk [tilespmem:v13+s23+$0x0], $0xffff  }
0x78: {  	v20 =	vtrunc.f32 v20;
	v28 =	vmin.f32 v28, $2.899999810e+01;
	v31 =	vmul.f32 $2.900000000e+01, v24;
	v32 =	vld.idx.msk [tilespmem:v15+s23+$0x0], $0xffff  }
0x79: {  	v17 =	vtrunc.f32 v17;
	v23 =	vmin.f32 v23, $2.899999810e+01;
	v33 =	vmul.f32 $2.900000000e+01, v25;
	v34 =	vld.idx.msk [tilespmem:v14+s22+$0x0], $0xffff  }
0x7a: {  	v28 =	vtrunc.f32 v28;
	v14 =	vmul.f32 $2.900000000e+01, v8;
	v31 =	vmin.f32 v31, $2.899999810e+01;
	v35 =	vld.idx.msk [tilespmem:v9+s22+$0x0], $0xffff  }
0x7b: {  	v23 =	vtrunc.f32 v23;
	v31 =	vtrunc.f32 v31;
	v33 =	vmin.f32 v33, $2.899999810e+01;
	v36 =	vld.idx.msk [tilespmem:v10+s22+$0x0], $0xffff  }
0x7c: {  	v9 =	vcvt.f32.s32 v20;
	v10 =	vmin.f32 v14, $2.899999810e+01;
	v20 =	vtrunc.f32 v33;
	v33 =	vld.idx.msk [tilespmem:v11+s22+$0x0], $0xffff  }
0x7d: {  	v11 =	vtrunc.f32 v10;
	v10 =	vcvt.f32.s32 v17;
	v37 =	vld.idx.msk [tilespmem:v27+s23+$0x0], $0xffff  }
0x7e: {  	v14 =	vcvt.f32.s32 v11;
	v11 =	vcvt.f32.s32 v28;
	v28 =	vld.idx.msk [tilespmem:v12+s22+$0x0], $0xffff  }
0x7f: {  	v31 =	vcvt.f32.s32 v31;
	v12 =	vcvt.f32.s32 v23;
	v22 =	vadd.f32 v22, v34;
	v27 =	vld.idx.msk [tilespmem:v27+s22+$0x0], $0xffff  }
0x80: {  	v29 =	vmul.f32 v29, v2;
	v2 =	vmovc v16;
	v34 =	vcvt.f32.s32 v20;
	v35 =	vadd.f32 v18, v35;
	v17 =	vld.idx.msk [tilespmem:v13+s22+$0x0], $0xffff  }
.Ltmp2:
0x81: {  	v23 =	vmul.f32 v30, v4;
	v20 =	vmul.f32 v32, v3;
	v36 =	vadd.f32 v19, v36;
	v16 =	vld.idx.msk [tilespmem:v15+s22+$0x0], $0xffff;
	(pc) =	sbr.rel @p1 .LBB2_3-.Ltmp2, $4  }
0x82: {  	v4 =	vmovc v24;
	v3 =	vmov v25;
	v13 =	vmov v31;
	v30 =	vadd.f32 v21, v33;
	v18 =	vld.idx.msk [tilespmem:v9+s23+$0x0], $0xffff;
	[tilespmem:s7+$0xFFFFFFC0] =	vst v22  }
0x83: {  	v15 =	vmov v34;
	v24 =	vmul.f32 v37, v26;
	v19 =	vld.idx.msk [tilespmem:v10+s23+$0x0], $0xffff;
	[tilespmem:s7+$0xFFFFFFD0] =	vst v35  }
0x84: {  	v25 =	vadd.f32 v29, v28;
	v22 =	vld.idx.msk [tilespmem:v14+s23+$0x0], $0xffff;
	[tilespmem:s7+$0xFFFFFFE0] =	vst v36  }
0x85: {  	s19 =	sadd.s32 $0x80, s19;
	v24 =	vadd.f32 v24, v27;
	v21 =	vld.idx.msk [tilespmem:v11+s23+$0x0], $0xffff;
	[tilespmem:s7+$0xFFFFFFF0] =	vst v30  }
0x86: {  	_ =	sdelay $0x3  }
0x87: {  	v26 =	vld.idx.msk [tilespmem:v12+s23+$0x0], $0xffff  }
0x88: {  	v27 =	vld.idx.msk [tilespmem:v13+s23+$0x0], $0xffff  }
0x89: {  	v28 =	vld.idx.msk [tilespmem:v15+s23+$0x0], $0xffff  }
0x8a: {  	v14 =	vld.idx.msk [tilespmem:v14+s22+$0x0], $0xffff  }
0x8b: {  	v9 =	vld.idx.msk [tilespmem:v9+s22+$0x0], $0xffff  }
0x8c: {  	v10 =	vld.idx.msk [tilespmem:v10+s22+$0x0], $0xffff  }
0x8d: {  	[tilespmem:s18+$0x0] =	vst v25;
	v17 =	vadd.f32 v23, v17;
	s7 =	sadd.s32 $0x80, s7;
	v11 =	vld.idx.msk [tilespmem:v11+s22+$0x0], $0xffff;
	v8 =	vmul.f32 v22, v8  }
0x8e: {  	v16 =	vadd.f32 v20, v16;
	v61 =	vld.idx.msk [tilespmem:v12+s22+$0x0], $0xffff;
	[tilespmem:s7+$0x30] =	vst v24;
	v6 =	vmul.f32 v18, v6  }
0x8f: {  	v62 =	vld.idx.msk [tilespmem:v13+s22+$0x0], $0xffff;
	[tilespmem:s18+$0x10] =	vst v17;
	v7 =	vmul.f32 v19, v7;
	v8 =	vadd.f32 v8, v14  }
0x90: {  	v63 =	vld.idx.msk [tilespmem:v15+s22+$0x0], $0xffff;
	[tilespmem:s18+$0x20] =	vst v16;
	v5 =	vmul.f32 v21, v5;
	v6 =	vadd.f32 v6, v9  }
0x91: {  	v2 =	vmul.f32 v26, v2;
	v7 =	vadd.f32 v7, v10;
	[tilespmem:s7+$0xFFFFFFC0] =	vst v8  }
0x92: {  	v4 =	vmul.f32 v27, v4;
	v5 =	vadd.f32 v5, v11;
	[tilespmem:s7+$0xFFFFFFD0] =	vst v6  }
0x93: {  	p1 =	sne.s32 s9, $0xF;
	v3 =	vmul.f32 v28, v3;
	[tilespmem:s7+$0xFFFFFFE0] =	vst v7;
	v2 =	vadd.f32 v2, v61  }
.Ltmp3:
0x94: {  	v4 =	vadd.f32 v4, v62;
	[tilespmem:s7+$0xFFFFFFF0] =	vst v5;
	(pc) =	sbr.rel @p1 .LBB2_6-.Ltmp3, $4  }
0x95: {  	s8 =	sor.u32 s6, s10;
	[tilespmem:s7+$0x0] =	vst v2;
	v2 =	vadd.f32 v3, v63  }
0x96: {  	s18 =	sshrl.u32 s8, $0x3;
	[tilespmem:s7+$0x10] =	vst v4  }
0x97: {  	s20 =	sadd.s32 s4, s18;
	[tilespmem:s7+$0x20] =	vst v2  }
0x98: {  	[hbm4b:s20+s5] =	stream.linear.scatter [tilespmem:s24], [sflag:$0x5], $0x2000, $0x38;
	[tilespmem:$0x10180] =	vst v63  }
.Ltmp4:
0x99: {  	(pc) =	sbr.rel .LBB2_7-.Ltmp4, $4  }
0x9a: {  	_ = 	snop  }
0x9b: {  	_ =	swait.ge [sflag:s25], $0x2000  }
0x9c: {  	[sflag:s25] =	ssyncset.done $0x0  }
0x9d: {  	[sflag:s25] =	ssyncadd.s32 $0xFFFFE000  }
.LBB2_6:
0x9e: {  	s7 =	sadd.s32 s10, s11  }
0x9f: {  	s7 =	sshrl.u32 s7, $0x3  }
.Ltmp5:
0xa0: {  	s7 =	sadd.s32 s1, s7;
	(pc) =	sbr.rel @p0 .LBB2_8-.Ltmp5, $4  }
0xa1: {  	[tilespmem:s5], [sflag:$0x1] =	stream.linear.gather [hbm4b:s7+s5], $0x2000, $0x38;
	[tilespmem:$0x10180] =	vst v63  }
0xa2: {  	_ =	swait.ge [sflag:s25], $0x2000  }
0xa3: {  	[sflag:s25] =	ssyncset.done $0x0  }
0xa4: {  	[sflag:s25] =	ssyncadd.s32 $0xFFFFE000  }
.LBB2_7:
0xa5: {  	_ =	swait.ge [sflag:s26], $0x2000  }
0xa6: {  	[sflag:s26] =	ssyncset.done $0x0  }
0xa7: {  	[sflag:s26] =	ssyncadd.s32 $0xFFFFE000  }
.LBB2_8:
0xa8: {  	s7 =	simm.s32 $0x2040  }
0xa9: {  	v3 =	vld [tilespmem:s7+$0x30];
	_ =	sdelay $0x1  }
0xaa: {  	v8 =	vld [tilespmem:s7+$0xFFFFFFD0]  }
0xab: {  	v9 =	vld [tilespmem:s7+$0xFFFFFFE0]  }
0xac: {  	v10 =	vld [tilespmem:s7+$0xFFFFFFC0]  }
0xad: {  	v11 =	vld [tilespmem:s7+$0xFFFFFFF0];
	v2 =	vmul.f32 $2.900000000e+01, v3;
	_ =	sdelay $0x1  }
0xae: {  	v4 =	vmul.f32 $2.900000000e+01, v8;
	v2 =	vmin.f32 v2, $2.899999810e+01  }
0xaf: {  	v5 =	vmul.f32 $2.900000000e+01, v9;
	v2 =	vtrunc.f32 v2  }
0xb0: {  	v13 =	vld [tilespmem:s7+$0x0];
	v6 =	vmul.f32 $2.900000000e+01, v10;
	v4 =	vmin.f32 v4, $2.899999810e+01;
	v2 =	vcvt.f32.s32 v2  }
0xb1: {  	v15 =	vld [tilespmem:s7+$0x10];
	v7 =	vmul.f32 $2.900000000e+01, v11;
	v5 =	vmin.f32 v5, $2.899999810e+01;
	v4 =	vtrunc.f32 v4  }
0xb2: {  	s20 =	simm.s32 $0x20C0;
	v20 =	vld [tilespmem:s7+$0x20];
	v6 =	vmin.f32 v6, $2.899999810e+01;
	v5 =	vtrunc.f32 v5;
	v12 =	vcvt.f32.s32 v4  }
0xb3: {  	v25 =	vld [tilespmem:s20+$0x30];
	v6 =	vtrunc.f32 v6;
	v14 =	vcvt.f32.s32 v5  }
0xb4: {  	v16 =	vcvt.f32.s32 v6;
	v6 =	vld [tilespmem:s20+$0xFFFFFFD0]  }
0xb5: {  	v4 =	vmin.f32 v7, $2.899999810e+01;
	v7 =	vld [tilespmem:s20+$0xFFFFFFE0]  }
0xb6: {  	v4 =	vtrunc.f32 v4;
	v18 =	vld.idx.msk [tilespmem:v2+s23+$0x0], $0xffff  }
0xb7: {  	v17 =	vcvt.f32.s32 v4;
	v4 =	vmul.f32 $2.900000000e+01, v15;
	v19 =	vld.idx.msk [tilespmem:v2+s22+$0x0], $0xffff  }
0xb8: {  	v21 =	vld.idx.msk [tilespmem:v12+s23+$0x0], $0xffff  }
0xb9: {  	v4 =	vmin.f32 v4, $2.899999810e+01;
	v22 =	vld.idx.msk [tilespmem:v14+s23+$0x0], $0xffff  }
0xba: {  	v4 =	vtrunc.f32 v4;
	v2 =	vmul.f32 $2.900000000e+01, v13;
	v23 =	vld.idx.msk [tilespmem:v16+s23+$0x0], $0xffff  }
0xbb: {  	v5 =	vmul.f32 $2.900000000e+01, v20;
	v27 =	vcvt.f32.s32 v4;
	v4 =	vld [tilespmem:s20+$0x10]  }
0xbc: {  	v16 =	vld.idx.msk [tilespmem:v16+s22+$0x0], $0xffff;
	v2 =	vmin.f32 v2, $2.899999810e+01  }
0xbd: {  	v29 =	vmul.f32 $2.900000000e+01, v25;
	v5 =	vmin.f32 v5, $2.899999810e+01;
	v12 =	vld.idx.msk [tilespmem:v12+s22+$0x0], $0xffff;
	v2 =	vtrunc.f32 v2  }
0xbe: {  	v24 =	vld.idx.msk [tilespmem:v17+s23+$0x0], $0xffff;
	v26 =	vcvt.f32.s32 v2;
	v2 =	vtrunc.f32 v5  }
0xbf: {  	v5 =	vld [tilespmem:s20+$0xFFFFFFF0];
	v28 =	vcvt.f32.s32 v2;
	v18 =	vmul.f32 v18, v3  }
0xc0: {  	v2 =	vld [tilespmem:s20+$0x0];
	v21 =	vmul.f32 v21, v8;
	v22 =	vmul.f32 v22, v9  }
0xc1: {  	v8 =	vld [tilespmem:s20+$0xFFFFFFC0];
	v9 =	vmin.f32 v29, $2.899999810e+01;
	v23 =	vmul.f32 v23, v10;
	v10 =	vmul.f32 $2.900000000e+01, v6  }
0xc2: {  	v3 =	vld [tilespmem:s20+$0x20];
	v35 =	vmul.f32 $2.900000000e+01, v4;
	v9 =	vtrunc.f32 v9  }
0xc3: {  	v37 =	vld.idx.msk [tilespmem:v14+s22+$0x0], $0xffff;
	v30 =	vcvt.f32.s32 v9;
	v9 =	vmul.f32 $2.900000000e+01, v7;
	v10 =	vmin.f32 v10, $2.899999810e+01  }
0xc4: {  	v59 =	vld.idx.msk [tilespmem:v17+s22+$0x0], $0xffff;
	v24 =	vmul.f32 v24, v11;
	v10 =	vtrunc.f32 v10  }
0xc5: {  	v31 =	vld.idx.msk [tilespmem:v27+s23+$0x0], $0xffff;
	v11 =	vmul.f32 $2.900000000e+01, v5;
	v9 =	vmin.f32 v9, $2.899999810e+01;
	v33 =	vmul.f32 $2.900000000e+01, v2  }
0xc6: {  	v17 =	vld.idx.msk [tilespmem:v27+s22+$0x0], $0xffff;
	v34 =	vmul.f32 $2.900000000e+01, v8;
	v36 =	vtrunc.f32 v9  }
0xc7: {  	v58 =	vld.idx.msk [tilespmem:v26+s23+$0x0], $0xffff;
	v38 =	vmul.f32 $2.900000000e+01, v3;
	v9 =	vcvt.f32.s32 v10;
	v11 =	vmin.f32 v11, $2.899999810e+01  }
0xc8: {  	v26 =	vld.idx.msk [tilespmem:v26+s22+$0x0], $0xffff;
	v10 =	vcvt.f32.s32 v36;
	v14 =	vmin.f32 v34, $2.899999810e+01;
	v11 =	vtrunc.f32 v11  }
0xc9: {  	v18 =	vadd.f32 v18, v19;
	v14 =	vtrunc.f32 v14;
	v60 =	vld.idx.msk [tilespmem:v30+s23+$0x0], $0xffff;
	v11 =	vcvt.f32.s32 v11  }
0xca: {  	v19 =	vadd.f32 v23, v16;
	v32 =	vld.idx.msk [tilespmem:v28+s23+$0x0], $0xffff;
	v16 =	vmin.f32 v33, $2.899999810e+01;
	v14 =	vcvt.f32.s32 v14  }
0xcb: {  	s7 =	simm.s32 $0xA040;
	v30 =	vld.idx.msk [tilespmem:v30+s22+$0x0], $0xffff;
	v33 =	vtrunc.f32 v16;
	v16 =	vmin.f32 v38, $2.899999810e+01  }
0xcc: {  	v23 =	vmin.f32 v35, $2.899999810e+01;
	v21 =	vadd.f32 v21, v12;
	[tilespmem:s7+$0x30] =	vst v18;
	v27 =	vtrunc.f32 v16;
	v16 =	vld.idx.msk [tilespmem:v28+s22+$0x0], $0xffff  }
0xcd: {  	v62 =	vadd.f32 v22, v37;
	v23 =	vtrunc.f32 v23;
	[tilespmem:s7+$0xFFFFFFC0] =	vst v19;
	v61 =	vmul.f32 v58, v13;
	v18 =	vld.idx.msk [tilespmem:v9+s23+$0x0], $0xffff  }
0xce: {  	v63 =	vadd.f32 v24, v59;
	[tilespmem:s7+$0xFFFFFFD0] =	vst v21;
	v12 =	vcvt.f32.s32 v33;
	v19 =	vld.idx.msk [tilespmem:v10+s23+$0x0], $0xffff;
	v24 =	vmul.f32 v60, v25  }
0xcf: {  	[tilespmem:s7+$0xFFFFFFE0] =	vst v62;
	v13 =	vcvt.f32.s32 v23;
	v23 =	vmul.f32 v31, v15;
	v25 =	vadd.f32 v61, v26;
	v21 =	vld.idx.msk [tilespmem:v11+s23+$0x0], $0xffff  }
0xd0: {  	s19 =	simm.s32 $0x80;
	s8 =	simm.s32 $0x2140;
	s20 =	simm.s32 $0xA040;
	[tilespmem:s7+$0xFFFFFFF0] =	vst v63;
	v15 =	vcvt.f32.s32 v27;
	v20 =	vmul.f32 v32, v20;
	v22 =	vld.idx.msk [tilespmem:v14+s23+$0x0], $0xffff;
	v24 =	vadd.f32 v24, v30  }
.LBB2_9:
0xd1: {  	v26 =	vld [tilespmem:s8+$0x30];
	s19 =	sadd.s32 $0x80, s19;
	[tilespmem:s7+$0x0] =	vst v25;
	v17 =	vadd.f32 v23, v17;
	s20 =	sadd.s32 $0x80, s20  }
0xd2: {  	v16 =	vadd.f32 v20, v16;
	v23 =	vld [tilespmem:s8+$0xFFFFFFD0];
	p2 =	slt.u32 s19, $0x1F80;
	[tilespmem:s20+$0x30] =	vst v24  }
0xd3: {  	v18 =	vmul.f32 v18, v6;
	v20 =	vld [tilespmem:s8+$0xFFFFFFE0];
	[tilespmem:s7+$0x10] =	vst v17  }
0xd4: {  	v19 =	vmul.f32 v19, v7;
	v17 =	vld [tilespmem:s8+$0xFFFFFFF0];
	[tilespmem:s7+$0x20] =	vst v16;
	s7 =	smov.u32 s20  }
0xd5: {  	v22 =	vmul.f32 v22, v8;
	v16 =	vld [tilespmem:s8+$0x0]  }
0xd6: {  	v21 =	vmul.f32 v21, v5;
	v24 =	vld [tilespmem:s8+$0x10];
	v28 =	vmul.f32 $2.900000000e+01, v26  }
0xd7: {  	v30 =	vmul.f32 $2.900000000e+01, v23;
	v25 =	vld [tilespmem:s8+$0x20];
	v6 =	vmov v23  }
0xd8: {  	v8 =	vld [tilespmem:s8+$0xFFFFFFC0];
	v23 =	vmul.f32 $2.900000000e+01, v20;
	v27 =	vmin.f32 v28, $2.899999810e+01;
	v7 =	vmov v20  }
0xd9: {  	v20 =	vmin.f32 v30, $2.899999810e+01;
	v28 =	vmul.f32 $2.900000000e+01, v17;
	v27 =	vtrunc.f32 v27;
	v29 =	vld.idx.msk [tilespmem:v12+s23+$0x0], $0xffff;
	v5 =	vmovc v17  }
0xda: {  	v17 =	vmin.f32 v23, $2.899999810e+01;
	v23 =	vmul.f32 $2.900000000e+01, v16;
	v27 =	vcvt.f32.s32 v27;
	v30 =	vld.idx.msk [tilespmem:v13+s23+$0x0], $0xffff  }
0xdb: {  	v20 =	vtrunc.f32 v20;
	v28 =	vmin.f32 v28, $2.899999810e+01;
	v31 =	vmul.f32 $2.900000000e+01, v24;
	v32 =	vld.idx.msk [tilespmem:v15+s23+$0x0], $0xffff  }
0xdc: {  	v17 =	vtrunc.f32 v17;
	v23 =	vmin.f32 v23, $2.899999810e+01;
	v33 =	vmul.f32 $2.900000000e+01, v25;
	v34 =	vld.idx.msk [tilespmem:v14+s22+$0x0], $0xffff  }
0xdd: {  	v28 =	vtrunc.f32 v28;
	v14 =	vmul.f32 $2.900000000e+01, v8;
	v31 =	vmin.f32 v31, $2.899999810e+01;
	v35 =	vld.idx.msk [tilespmem:v9+s22+$0x0], $0xffff  }
0xde: {  	v23 =	vtrunc.f32 v23;
	v31 =	vtrunc.f32 v31;
	v33 =	vmin.f32 v33, $2.899999810e+01;
	v36 =	vld.idx.msk [tilespmem:v10+s22+$0x0], $0xffff  }
0xdf: {  	v9 =	vcvt.f32.s32 v20;
	v10 =	vmin.f32 v14, $2.899999810e+01;
	v20 =	vtrunc.f32 v33;
	v33 =	vld.idx.msk [tilespmem:v11+s22+$0x0], $0xffff  }
0xe0: {  	v11 =	vtrunc.f32 v10;
	v10 =	vcvt.f32.s32 v17;
	v37 =	vld.idx.msk [tilespmem:v27+s23+$0x0], $0xffff  }
0xe1: {  	v14 =	vcvt.f32.s32 v11;
	v11 =	vcvt.f32.s32 v28;
	v28 =	vld.idx.msk [tilespmem:v12+s22+$0x0], $0xffff  }
0xe2: {  	v31 =	vcvt.f32.s32 v31;
	v12 =	vcvt.f32.s32 v23;
	v22 =	vadd.f32 v22, v34;
	v27 =	vld.idx.msk [tilespmem:v27+s22+$0x0], $0xffff  }
0xe3: {  	v29 =	vmul.f32 v29, v2;
	v2 =	vmovc v16;
	v34 =	vcvt.f32.s32 v20;
	v35 =	vadd.f32 v18, v35;
	v17 =	vld.idx.msk [tilespmem:v13+s22+$0x0], $0xffff  }
.Ltmp6:
0xe4: {  	v23 =	vmul.f32 v30, v4;
	v20 =	vmul.f32 v32, v3;
	v36 =	vadd.f32 v19, v36;
	v16 =	vld.idx.msk [tilespmem:v15+s22+$0x0], $0xffff;
	(pc) =	sbr.rel @p2 .LBB2_9-.Ltmp6, $4  }
0xe5: {  	v4 =	vmovc v24;
	v3 =	vmov v25;
	v13 =	vmov v31;
	v30 =	vadd.f32 v21, v33;
	v18 =	vld.idx.msk [tilespmem:v9+s23+$0x0], $0xffff;
	[tilespmem:s20+$0xFFFFFFC0] =	vst v22  }
0xe6: {  	v15 =	vmov v34;
	v24 =	vmul.f32 v37, v26;
	v19 =	vld.idx.msk [tilespmem:v10+s23+$0x0], $0xffff;
	[tilespmem:s20+$0xFFFFFFD0] =	vst v35  }
0xe7: {  	v25 =	vadd.f32 v29, v28;
	v22 =	vld.idx.msk [tilespmem:v14+s23+$0x0], $0xffff;
	[tilespmem:s20+$0xFFFFFFE0] =	vst v36  }
0xe8: {  	s8 =	sadd.s32 $0x80, s8;
	v24 =	vadd.f32 v24, v27;
	v21 =	vld.idx.msk [tilespmem:v11+s23+$0x0], $0xffff;
	[tilespmem:s20+$0xFFFFFFF0] =	vst v30  }
0xe9: {  	_ =	sdelay $0x3  }
0xea: {  	v26 =	vld.idx.msk [tilespmem:v12+s23+$0x0], $0xffff  }
0xeb: {  	v27 =	vld.idx.msk [tilespmem:v13+s23+$0x0], $0xffff  }
0xec: {  	v28 =	vld.idx.msk [tilespmem:v15+s23+$0x0], $0xffff  }
0xed: {  	v14 =	vld.idx.msk [tilespmem:v14+s22+$0x0], $0xffff  }
0xee: {  	v9 =	vld.idx.msk [tilespmem:v9+s22+$0x0], $0xffff  }
0xef: {  	v10 =	vld.idx.msk [tilespmem:v10+s22+$0x0], $0xffff  }
0xf0: {  	[tilespmem:s7+$0x0] =	vst v25;
	v17 =	vadd.f32 v23, v17;
	s8 =	sadd.s32 $0x80, s20;
	v11 =	vld.idx.msk [tilespmem:v11+s22+$0x0], $0xffff;
	v8 =	vmul.f32 v22, v8  }
0xf1: {  	v16 =	vadd.f32 v20, v16;
	v61 =	vld.idx.msk [tilespmem:v12+s22+$0x0], $0xffff;
	[tilespmem:s8+$0x30] =	vst v24;
	v6 =	vmul.f32 v18, v6  }
0xf2: {  	v62 =	vld.idx.msk [tilespmem:v13+s22+$0x0], $0xffff;
	[tilespmem:s7+$0x10] =	vst v17;
	v7 =	vmul.f32 v19, v7;
	v8 =	vadd.f32 v8, v14  }
0xf3: {  	v63 =	vld.idx.msk [tilespmem:v15+s22+$0x0], $0xffff;
	[tilespmem:s7+$0x20] =	vst v16;
	v5 =	vmul.f32 v21, v5;
	v6 =	vadd.f32 v6, v9  }
0xf4: {  	v2 =	vmul.f32 v26, v2;
	v7 =	vadd.f32 v7, v10;
	[tilespmem:s8+$0xFFFFFFC0] =	vst v8  }
0xf5: {  	v4 =	vmul.f32 v27, v4;
	v5 =	vadd.f32 v5, v11;
	[tilespmem:s8+$0xFFFFFFD0] =	vst v6  }
0xf6: {  	v3 =	vmul.f32 v28, v3;
	[tilespmem:s8+$0xFFFFFFE0] =	vst v7;
	v2 =	vadd.f32 v2, v61  }
.Ltmp7:
0xf7: {  	v4 =	vadd.f32 v4, v62;
	[tilespmem:s8+$0xFFFFFFF0] =	vst v5;
	(pc) =	sbr.rel @p1 .LBB2_12-.Ltmp7, $4  }
0xf8: {  	[tilespmem:s8+$0x0] =	vst v2;
	v2 =	vadd.f32 v3, v63  }
0xf9: {  	s18 =	sadd.s32 s18, s4;
	[tilespmem:s8+$0x10] =	vst v4  }
0xfa: {  	s20 =	sadd.s32 $0x400, s18;
	[tilespmem:s8+$0x20] =	vst v2  }
0xfb: {  	[hbm4b:s20+s5] =	stream.linear.scatter [tilespmem:s28], [sflag:$0x6], $0x2000, $0x38;
	[tilespmem:$0x10180] =	vst v63  }
.Ltmp8:
0xfc: {  	(pc) =	sbr.rel .LBB2_13-.Ltmp8, $4  }
0xfd: {  	_ = 	snop  }
0xfe: {  	_ =	swait.ge [sflag:s29], $0x2000  }
0xff: {  	[sflag:s29] =	ssyncset.done $0x0  }
0x100: {  	[sflag:s29] =	ssyncadd.s32 $0xFFFFE000  }
.LBB2_12:
0x101: {  	s7 =	sadd.s32 s10, s12  }
0x102: {  	s7 =	sshrl.u32 s7, $0x3  }
.Ltmp9:
0x103: {  	s7 =	sadd.s32 s1, s7;
	(pc) =	sbr.rel @p0 .LBB2_14-.Ltmp9, $4  }
0x104: {  	[tilespmem:s15], [sflag:$0x2] =	stream.linear.gather [hbm4b:s7+s5], $0x2000, $0x38;
	[tilespmem:$0x10180] =	vst v63  }
0x105: {  	_ =	swait.ge [sflag:s29], $0x2000  }
0x106: {  	[sflag:s29] =	ssyncset.done $0x0  }
0x107: {  	[sflag:s29] =	ssyncadd.s32 $0xFFFFE000  }
.LBB2_13:
0x108: {  	_ =	swait.ge [sflag:s30], $0x2000  }
0x109: {  	[sflag:s30] =	ssyncset.done $0x0  }
0x10a: {  	[sflag:s30] =	ssyncadd.s32 $0xFFFFE000  }
.LBB2_14:
0x10b: {  	s7 =	simm.s32 $0x4040  }
0x10c: {  	v3 =	vld [tilespmem:s7+$0x30];
	_ =	sdelay $0x1  }
0x10d: {  	v8 =	vld [tilespmem:s7+$0xFFFFFFD0]  }
0x10e: {  	v9 =	vld [tilespmem:s7+$0xFFFFFFE0]  }
0x10f: {  	v10 =	vld [tilespmem:s7+$0xFFFFFFC0]  }
0x110: {  	v11 =	vld [tilespmem:s7+$0xFFFFFFF0];
	v2 =	vmul.f32 $2.900000000e+01, v3;
	_ =	sdelay $0x1  }
0x111: {  	v4 =	vmul.f32 $2.900000000e+01, v8;
	v2 =	vmin.f32 v2, $2.899999810e+01  }
0x112: {  	v5 =	vmul.f32 $2.900000000e+01, v9;
	v2 =	vtrunc.f32 v2  }
0x113: {  	v13 =	vld [tilespmem:s7+$0x0];
	v6 =	vmul.f32 $2.900000000e+01, v10;
	v4 =	vmin.f32 v4, $2.899999810e+01;
	v2 =	vcvt.f32.s32 v2  }
0x114: {  	v15 =	vld [tilespmem:s7+$0x10];
	v7 =	vmul.f32 $2.900000000e+01, v11;
	v5 =	vmin.f32 v5, $2.899999810e+01;
	v4 =	vtrunc.f32 v4  }
0x115: {  	s20 =	simm.s32 $0x40C0;
	v20 =	vld [tilespmem:s7+$0x20];
	v6 =	vmin.f32 v6, $2.899999810e+01;
	v5 =	vtrunc.f32 v5;
	v12 =	vcvt.f32.s32 v4  }
0x116: {  	v25 =	vld [tilespmem:s20+$0x30];
	v6 =	vtrunc.f32 v6;
	v14 =	vcvt.f32.s32 v5  }
0x117: {  	v16 =	vcvt.f32.s32 v6;
	v6 =	vld [tilespmem:s20+$0xFFFFFFD0]  }
0x118: {  	v4 =	vmin.f32 v7, $2.899999810e+01;
	v7 =	vld [tilespmem:s20+$0xFFFFFFE0]  }
0x119: {  	v4 =	vtrunc.f32 v4;
	v18 =	vld.idx.msk [tilespmem:v2+s23+$0x0], $0xffff  }
0x11a: {  	v17 =	vcvt.f32.s32 v4;
	v4 =	vmul.f32 $2.900000000e+01, v15;
	v19 =	vld.idx.msk [tilespmem:v2+s22+$0x0], $0xffff  }
0x11b: {  	v21 =	vld.idx.msk [tilespmem:v12+s23+$0x0], $0xffff  }
0x11c: {  	v4 =	vmin.f32 v4, $2.899999810e+01;
	v22 =	vld.idx.msk [tilespmem:v14+s23+$0x0], $0xffff  }
0x11d: {  	v4 =	vtrunc.f32 v4;
	v2 =	vmul.f32 $2.900000000e+01, v13;
	v23 =	vld.idx.msk [tilespmem:v16+s23+$0x0], $0xffff  }
0x11e: {  	v5 =	vmul.f32 $2.900000000e+01, v20;
	v27 =	vcvt.f32.s32 v4;
	v4 =	vld [tilespmem:s20+$0x10]  }
0x11f: {  	v16 =	vld.idx.msk [tilespmem:v16+s22+$0x0], $0xffff;
	v2 =	vmin.f32 v2, $2.899999810e+01  }
0x120: {  	v29 =	vmul.f32 $2.900000000e+01, v25;
	v5 =	vmin.f32 v5, $2.899999810e+01;
	v12 =	vld.idx.msk [tilespmem:v12+s22+$0x0], $0xffff;
	v2 =	vtrunc.f32 v2  }
0x121: {  	v24 =	vld.idx.msk [tilespmem:v17+s23+$0x0], $0xffff;
	v26 =	vcvt.f32.s32 v2;
	v2 =	vtrunc.f32 v5  }
0x122: {  	v5 =	vld [tilespmem:s20+$0xFFFFFFF0];
	v28 =	vcvt.f32.s32 v2;
	v18 =	vmul.f32 v18, v3  }
0x123: {  	v2 =	vld [tilespmem:s20+$0x0];
	v21 =	vmul.f32 v21, v8;
	v22 =	vmul.f32 v22, v9  }
0x124: {  	v8 =	vld [tilespmem:s20+$0xFFFFFFC0];
	v9 =	vmin.f32 v29, $2.899999810e+01;
	v23 =	vmul.f32 v23, v10;
	v10 =	vmul.f32 $2.900000000e+01, v6  }
0x125: {  	v3 =	vld [tilespmem:s20+$0x20];
	v35 =	vmul.f32 $2.900000000e+01, v4;
	v9 =	vtrunc.f32 v9  }
0x126: {  	v37 =	vld.idx.msk [tilespmem:v14+s22+$0x0], $0xffff;
	v30 =	vcvt.f32.s32 v9;
	v9 =	vmul.f32 $2.900000000e+01, v7;
	v10 =	vmin.f32 v10, $2.899999810e+01  }
0x127: {  	v59 =	vld.idx.msk [tilespmem:v17+s22+$0x0], $0xffff;
	v24 =	vmul.f32 v24, v11;
	v10 =	vtrunc.f32 v10  }
0x128: {  	v31 =	vld.idx.msk [tilespmem:v27+s23+$0x0], $0xffff;
	v11 =	vmul.f32 $2.900000000e+01, v5;
	v9 =	vmin.f32 v9, $2.899999810e+01;
	v33 =	vmul.f32 $2.900000000e+01, v2  }
0x129: {  	v17 =	vld.idx.msk [tilespmem:v27+s22+$0x0], $0xffff;
	v34 =	vmul.f32 $2.900000000e+01, v8;
	v36 =	vtrunc.f32 v9  }
0x12a: {  	v58 =	vld.idx.msk [tilespmem:v26+s23+$0x0], $0xffff;
	v38 =	vmul.f32 $2.900000000e+01, v3;
	v9 =	vcvt.f32.s32 v10;
	v11 =	vmin.f32 v11, $2.899999810e+01  }
0x12b: {  	v26 =	vld.idx.msk [tilespmem:v26+s22+$0x0], $0xffff;
	v10 =	vcvt.f32.s32 v36;
	v14 =	vmin.f32 v34, $2.899999810e+01;
	v11 =	vtrunc.f32 v11  }
0x12c: {  	v18 =	vadd.f32 v18, v19;
	v14 =	vtrunc.f32 v14;
	v60 =	vld.idx.msk [tilespmem:v30+s23+$0x0], $0xffff;
	v11 =	vcvt.f32.s32 v11  }
0x12d: {  	v19 =	vadd.f32 v23, v16;
	v32 =	vld.idx.msk [tilespmem:v28+s23+$0x0], $0xffff;
	v16 =	vmin.f32 v33, $2.899999810e+01;
	v14 =	vcvt.f32.s32 v14  }
0x12e: {  	s7 =	simm.s32 $0xC040;
	v30 =	vld.idx.msk [tilespmem:v30+s22+$0x0], $0xffff;
	v33 =	vtrunc.f32 v16;
	v16 =	vmin.f32 v38, $2.899999810e+01  }
0x12f: {  	v23 =	vmin.f32 v35, $2.899999810e+01;
	v21 =	vadd.f32 v21, v12;
	[tilespmem:s7+$0x30] =	vst v18;
	v27 =	vtrunc.f32 v16;
	v16 =	vld.idx.msk [tilespmem:v28+s22+$0x0], $0xffff  }
0x130: {  	v62 =	vadd.f32 v22, v37;
	v23 =	vtrunc.f32 v23;
	[tilespmem:s7+$0xFFFFFFC0] =	vst v19;
	v61 =	vmul.f32 v58, v13;
	v18 =	vld.idx.msk [tilespmem:v9+s23+$0x0], $0xffff  }
0x131: {  	v63 =	vadd.f32 v24, v59;
	[tilespmem:s7+$0xFFFFFFD0] =	vst v21;
	v12 =	vcvt.f32.s32 v33;
	v19 =	vld.idx.msk [tilespmem:v10+s23+$0x0], $0xffff;
	v24 =	vmul.f32 v60, v25  }
0x132: {  	[tilespmem:s7+$0xFFFFFFE0] =	vst v62;
	v13 =	vcvt.f32.s32 v23;
	v23 =	vmul.f32 v31, v15;
	v25 =	vadd.f32 v61, v26;
	v21 =	vld.idx.msk [tilespmem:v11+s23+$0x0], $0xffff  }
0x133: {  	s19 =	simm.s32 $0x80;
	s8 =	simm.s32 $0x4140;
	s20 =	simm.s32 $0xC040;
	[tilespmem:s7+$0xFFFFFFF0] =	vst v63;
	v15 =	vcvt.f32.s32 v27;
	v20 =	vmul.f32 v32, v20;
	v22 =	vld.idx.msk [tilespmem:v14+s23+$0x0], $0xffff;
	v24 =	vadd.f32 v24, v30  }
.LBB2_15:
0x134: {  	v26 =	vld [tilespmem:s8+$0x30];
	s19 =	sadd.s32 $0x80, s19;
	[tilespmem:s7+$0x0] =	vst v25;
	v17 =	vadd.f32 v23, v17;
	s20 =	sadd.s32 $0x80, s20  }
0x135: {  	v16 =	vadd.f32 v20, v16;
	v23 =	vld [tilespmem:s8+$0xFFFFFFD0];
	p2 =	slt.u32 s19, $0x1F80;
	[tilespmem:s20+$0x30] =	vst v24  }
0x136: {  	v18 =	vmul.f32 v18, v6;
	v20 =	vld [tilespmem:s8+$0xFFFFFFE0];
	[tilespmem:s7+$0x10] =	vst v17  }
0x137: {  	v19 =	vmul.f32 v19, v7;
	v17 =	vld [tilespmem:s8+$0xFFFFFFF0];
	[tilespmem:s7+$0x20] =	vst v16;
	s7 =	smov.u32 s20  }
0x138: {  	v22 =	vmul.f32 v22, v8;
	v16 =	vld [tilespmem:s8+$0x0]  }
0x139: {  	v21 =	vmul.f32 v21, v5;
	v24 =	vld [tilespmem:s8+$0x10];
	v28 =	vmul.f32 $2.900000000e+01, v26  }
0x13a: {  	v30 =	vmul.f32 $2.900000000e+01, v23;
	v25 =	vld [tilespmem:s8+$0x20];
	v6 =	vmov v23  }
0x13b: {  	v8 =	vld [tilespmem:s8+$0xFFFFFFC0];
	v23 =	vmul.f32 $2.900000000e+01, v20;
	v27 =	vmin.f32 v28, $2.899999810e+01;
	v7 =	vmov v20  }
0x13c: {  	v20 =	vmin.f32 v30, $2.899999810e+01;
	v28 =	vmul.f32 $2.900000000e+01, v17;
	v27 =	vtrunc.f32 v27;
	v29 =	vld.idx.msk [tilespmem:v12+s23+$0x0], $0xffff;
	v5 =	vmovc v17  }
0x13d: {  	v17 =	vmin.f32 v23, $2.899999810e+01;
	v23 =	vmul.f32 $2.900000000e+01, v16;
	v27 =	vcvt.f32.s32 v27;
	v30 =	vld.idx.msk [tilespmem:v13+s23+$0x0], $0xffff  }
0x13e: {  	v20 =	vtrunc.f32 v20;
	v28 =	vmin.f32 v28, $2.899999810e+01;
	v31 =	vmul.f32 $2.900000000e+01, v24;
	v32 =	vld.idx.msk [tilespmem:v15+s23+$0x0], $0xffff  }
0x13f: {  	v17 =	vtrunc.f32 v17;
	v23 =	vmin.f32 v23, $2.899999810e+01;
	v33 =	vmul.f32 $2.900000000e+01, v25;
	v34 =	vld.idx.msk [tilespmem:v14+s22+$0x0], $0xffff  }
0x140: {  	v28 =	vtrunc.f32 v28;
	v14 =	vmul.f32 $2.900000000e+01, v8;
	v31 =	vmin.f32 v31, $2.899999810e+01;
	v35 =	vld.idx.msk [tilespmem:v9+s22+$0x0], $0xffff  }
0x141: {  	v23 =	vtrunc.f32 v23;
	v31 =	vtrunc.f32 v31;
	v33 =	vmin.f32 v33, $2.899999810e+01;
	v36 =	vld.idx.msk [tilespmem:v10+s22+$0x0], $0xffff  }
0x142: {  	v9 =	vcvt.f32.s32 v20;
	v10 =	vmin.f32 v14, $2.899999810e+01;
	v20 =	vtrunc.f32 v33;
	v33 =	vld.idx.msk [tilespmem:v11+s22+$0x0], $0xffff  }
0x143: {  	v11 =	vtrunc.f32 v10;
	v10 =	vcvt.f32.s32 v17;
	v37 =	vld.idx.msk [tilespmem:v27+s23+$0x0], $0xffff  }
0x144: {  	v14 =	vcvt.f32.s32 v11;
	v11 =	vcvt.f32.s32 v28;
	v28 =	vld.idx.msk [tilespmem:v12+s22+$0x0], $0xffff  }
0x145: {  	v31 =	vcvt.f32.s32 v31;
	v12 =	vcvt.f32.s32 v23;
	v22 =	vadd.f32 v22, v34;
	v27 =	vld.idx.msk [tilespmem:v27+s22+$0x0], $0xffff  }
0x146: {  	v29 =	vmul.f32 v29, v2;
	v2 =	vmovc v16;
	v34 =	vcvt.f32.s32 v20;
	v35 =	vadd.f32 v18, v35;
	v17 =	vld.idx.msk [tilespmem:v13+s22+$0x0], $0xffff  }
.Ltmp10:
0x147: {  	v23 =	vmul.f32 v30, v4;
	v20 =	vmul.f32 v32, v3;
	v36 =	vadd.f32 v19, v36;
	v16 =	vld.idx.msk [tilespmem:v15+s22+$0x0], $0xffff;
	(pc) =	sbr.rel @p2 .LBB2_15-.Ltmp10, $4  }
0x148: {  	v4 =	vmovc v24;
	v3 =	vmov v25;
	v13 =	vmov v31;
	v30 =	vadd.f32 v21, v33;
	v18 =	vld.idx.msk [tilespmem:v9+s23+$0x0], $0xffff;
	[tilespmem:s20+$0xFFFFFFC0] =	vst v22  }
0x149: {  	v15 =	vmov v34;
	v24 =	vmul.f32 v37, v26;
	v19 =	vld.idx.msk [tilespmem:v10+s23+$0x0], $0xffff;
	[tilespmem:s20+$0xFFFFFFD0] =	vst v35  }
0x14a: {  	v25 =	vadd.f32 v29, v28;
	v22 =	vld.idx.msk [tilespmem:v14+s23+$0x0], $0xffff;
	[tilespmem:s20+$0xFFFFFFE0] =	vst v36  }
0x14b: {  	s8 =	sadd.s32 $0x80, s8;
	v24 =	vadd.f32 v24, v27;
	v21 =	vld.idx.msk [tilespmem:v11+s23+$0x0], $0xffff;
	[tilespmem:s20+$0xFFFFFFF0] =	vst v30  }
0x14c: {  	_ =	sdelay $0x3  }
0x14d: {  	v26 =	vld.idx.msk [tilespmem:v12+s23+$0x0], $0xffff  }
0x14e: {  	v27 =	vld.idx.msk [tilespmem:v13+s23+$0x0], $0xffff  }
0x14f: {  	v28 =	vld.idx.msk [tilespmem:v15+s23+$0x0], $0xffff  }
0x150: {  	v14 =	vld.idx.msk [tilespmem:v14+s22+$0x0], $0xffff  }
0x151: {  	v9 =	vld.idx.msk [tilespmem:v9+s22+$0x0], $0xffff  }
0x152: {  	v10 =	vld.idx.msk [tilespmem:v10+s22+$0x0], $0xffff  }
0x153: {  	[tilespmem:s7+$0x0] =	vst v25;
	v17 =	vadd.f32 v23, v17;
	s8 =	sadd.s32 $0x80, s20;
	v11 =	vld.idx.msk [tilespmem:v11+s22+$0x0], $0xffff;
	v8 =	vmul.f32 v22, v8  }
0x154: {  	v16 =	vadd.f32 v20, v16;
	v61 =	vld.idx.msk [tilespmem:v12+s22+$0x0], $0xffff;
	[tilespmem:s8+$0x30] =	vst v24;
	v6 =	vmul.f32 v18, v6  }
0x155: {  	v62 =	vld.idx.msk [tilespmem:v13+s22+$0x0], $0xffff;
	[tilespmem:s7+$0x10] =	vst v17;
	v7 =	vmul.f32 v19, v7;
	v8 =	vadd.f32 v8, v14  }
0x156: {  	v63 =	vld.idx.msk [tilespmem:v15+s22+$0x0], $0xffff;
	[tilespmem:s7+$0x20] =	vst v16;
	v5 =	vmul.f32 v21, v5;
	v6 =	vadd.f32 v6, v9  }
0x157: {  	v2 =	vmul.f32 v26, v2;
	v7 =	vadd.f32 v7, v10;
	[tilespmem:s8+$0xFFFFFFC0] =	vst v8  }
0x158: {  	v4 =	vmul.f32 v27, v4;
	v5 =	vadd.f32 v5, v11;
	[tilespmem:s8+$0xFFFFFFD0] =	vst v6  }
0x159: {  	v3 =	vmul.f32 v28, v3;
	[tilespmem:s8+$0xFFFFFFE0] =	vst v7;
	v2 =	vadd.f32 v2, v61  }
.Ltmp11:
0x15a: {  	v4 =	vadd.f32 v4, v62;
	[tilespmem:s8+$0xFFFFFFF0] =	vst v5;
	(pc) =	sbr.rel @p1 .LBB2_18-.Ltmp11, $4  }
0x15b: {  	[tilespmem:s8+$0x0] =	vst v2;
	v2 =	vadd.f32 v3, v63  }
0x15c: {  	[tilespmem:s8+$0x10] =	vst v4  }
0x15d: {  	s20 =	sadd.s32 $0x800, s18;
	[tilespmem:s8+$0x20] =	vst v2  }
0x15e: {  	[hbm4b:s20+s5] =	stream.linear.scatter [tilespmem:s31], [sflag:$0x7], $0x2000, $0x38;
	[tilespmem:$0x10180] =	vst v63  }
.Ltmp12:
0x15f: {  	(pc) =	sbr.rel .LBB2_19-.Ltmp12, $4  }
0x160: {  	_ = 	snop  }
0x161: {  	_ =	swait.ge [sflag:s2], $0x2000  }
0x162: {  	[sflag:s2] =	ssyncset.done $0x0  }
0x163: {  	[sflag:s2] =	ssyncadd.s32 $0xFFFFE000  }
.LBB2_18:
0x164: {  	s7 =	sadd.s32 s10, s13  }
0x165: {  	s7 =	sshrl.u32 s7, $0x3  }
.Ltmp13:
0x166: {  	s7 =	sadd.s32 s1, s7;
	(pc) =	sbr.rel @p0 .LBB2_20-.Ltmp13, $4  }
0x167: {  	[tilespmem:s16], [sflag:$0x3] =	stream.linear.gather [hbm4b:s7+s5], $0x2000, $0x38;
	[tilespmem:$0x10180] =	vst v63  }
0x168: {  	_ =	swait.ge [sflag:s2], $0x2000  }
0x169: {  	[sflag:s2] =	ssyncset.done $0x0  }
0x16a: {  	[sflag:s2] =	ssyncadd.s32 $0xFFFFE000  }
.LBB2_19:
0x16b: {  	_ =	swait.ge [sflag:s0], $0x2000  }
0x16c: {  	[sflag:s0] =	ssyncset.done $0x0  }
0x16d: {  	[sflag:s0] =	ssyncadd.s32 $0xFFFFE000  }
.LBB2_20:
0x16e: {  	s7 =	simm.s32 $0x6040  }
0x16f: {  	v3 =	vld [tilespmem:s7+$0x30];
	_ =	sdelay $0x1  }
0x170: {  	v8 =	vld [tilespmem:s7+$0xFFFFFFD0]  }
0x171: {  	v9 =	vld [tilespmem:s7+$0xFFFFFFE0]  }
0x172: {  	v10 =	vld [tilespmem:s7+$0xFFFFFFC0]  }
0x173: {  	v11 =	vld [tilespmem:s7+$0xFFFFFFF0];
	v2 =	vmul.f32 $2.900000000e+01, v3;
	_ =	sdelay $0x1  }
0x174: {  	v4 =	vmul.f32 $2.900000000e+01, v8;
	v2 =	vmin.f32 v2, $2.899999810e+01  }
0x175: {  	v5 =	vmul.f32 $2.900000000e+01, v9;
	v2 =	vtrunc.f32 v2  }
0x176: {  	v13 =	vld [tilespmem:s7+$0x0];
	v6 =	vmul.f32 $2.900000000e+01, v10;
	v4 =	vmin.f32 v4, $2.899999810e+01;
	v2 =	vcvt.f32.s32 v2  }
0x177: {  	v15 =	vld [tilespmem:s7+$0x10];
	v7 =	vmul.f32 $2.900000000e+01, v11;
	v5 =	vmin.f32 v5, $2.899999810e+01;
	v4 =	vtrunc.f32 v4  }
0x178: {  	s20 =	simm.s32 $0x60C0;
	v20 =	vld [tilespmem:s7+$0x20];
	v6 =	vmin.f32 v6, $2.899999810e+01;
	v5 =	vtrunc.f32 v5;
	v12 =	vcvt.f32.s32 v4  }
0x179: {  	v25 =	vld [tilespmem:s20+$0x30];
	v6 =	vtrunc.f32 v6;
	v14 =	vcvt.f32.s32 v5  }
0x17a: {  	v16 =	vcvt.f32.s32 v6;
	v6 =	vld [tilespmem:s20+$0xFFFFFFD0]  }
0x17b: {  	v4 =	vmin.f32 v7, $2.899999810e+01;
	v7 =	vld [tilespmem:s20+$0xFFFFFFE0]  }
0x17c: {  	v4 =	vtrunc.f32 v4;
	v18 =	vld.idx.msk [tilespmem:v2+s23+$0x0], $0xffff  }
0x17d: {  	v17 =	vcvt.f32.s32 v4;
	v4 =	vmul.f32 $2.900000000e+01, v15;
	v19 =	vld.idx.msk [tilespmem:v2+s22+$0x0], $0xffff  }
0x17e: {  	v21 =	vld.idx.msk [tilespmem:v12+s23+$0x0], $0xffff  }
0x17f: {  	v4 =	vmin.f32 v4, $2.899999810e+01;
	v22 =	vld.idx.msk [tilespmem:v14+s23+$0x0], $0xffff  }
0x180: {  	v4 =	vtrunc.f32 v4;
	v2 =	vmul.f32 $2.900000000e+01, v13;
	v23 =	vld.idx.msk [tilespmem:v16+s23+$0x0], $0xffff  }
0x181: {  	v5 =	vmul.f32 $2.900000000e+01, v20;
	v27 =	vcvt.f32.s32 v4;
	v4 =	vld [tilespmem:s20+$0x10]  }
0x182: {  	v16 =	vld.idx.msk [tilespmem:v16+s22+$0x0], $0xffff;
	v2 =	vmin.f32 v2, $2.899999810e+01  }
0x183: {  	v29 =	vmul.f32 $2.900000000e+01, v25;
	v5 =	vmin.f32 v5, $2.899999810e+01;
	v12 =	vld.idx.msk [tilespmem:v12+s22+$0x0], $0xffff;
	v2 =	vtrunc.f32 v2  }
0x184: {  	v24 =	vld.idx.msk [tilespmem:v17+s23+$0x0], $0xffff;
	v26 =	vcvt.f32.s32 v2;
	v2 =	vtrunc.f32 v5  }
0x185: {  	v5 =	vld [tilespmem:s20+$0xFFFFFFF0];
	v28 =	vcvt.f32.s32 v2;
	v18 =	vmul.f32 v18, v3  }
0x186: {  	v2 =	vld [tilespmem:s20+$0x0];
	v21 =	vmul.f32 v21, v8;
	v22 =	vmul.f32 v22, v9  }
0x187: {  	v8 =	vld [tilespmem:s20+$0xFFFFFFC0];
	v9 =	vmin.f32 v29, $2.899999810e+01;
	v23 =	vmul.f32 v23, v10;
	v10 =	vmul.f32 $2.900000000e+01, v6  }
0x188: {  	v3 =	vld [tilespmem:s20+$0x20];
	v35 =	vmul.f32 $2.900000000e+01, v4;
	v9 =	vtrunc.f32 v9  }
0x189: {  	v37 =	vld.idx.msk [tilespmem:v14+s22+$0x0], $0xffff;
	v30 =	vcvt.f32.s32 v9;
	v9 =	vmul.f32 $2.900000000e+01, v7;
	v10 =	vmin.f32 v10, $2.899999810e+01  }
0x18a: {  	v59 =	vld.idx.msk [tilespmem:v17+s22+$0x0], $0xffff;
	v24 =	vmul.f32 v24, v11;
	v10 =	vtrunc.f32 v10  }
0x18b: {  	v31 =	vld.idx.msk [tilespmem:v27+s23+$0x0], $0xffff;
	v11 =	vmul.f32 $2.900000000e+01, v5;
	v9 =	vmin.f32 v9, $2.899999810e+01;
	v33 =	vmul.f32 $2.900000000e+01, v2  }
0x18c: {  	v17 =	vld.idx.msk [tilespmem:v27+s22+$0x0], $0xffff;
	v34 =	vmul.f32 $2.900000000e+01, v8;
	v36 =	vtrunc.f32 v9  }
0x18d: {  	v58 =	vld.idx.msk [tilespmem:v26+s23+$0x0], $0xffff;
	v38 =	vmul.f32 $2.900000000e+01, v3;
	v9 =	vcvt.f32.s32 v10;
	v11 =	vmin.f32 v11, $2.899999810e+01  }
0x18e: {  	v26 =	vld.idx.msk [tilespmem:v26+s22+$0x0], $0xffff;
	v10 =	vcvt.f32.s32 v36;
	v14 =	vmin.f32 v34, $2.899999810e+01;
	v11 =	vtrunc.f32 v11  }
0x18f: {  	v18 =	vadd.f32 v18, v19;
	v14 =	vtrunc.f32 v14;
	v60 =	vld.idx.msk [tilespmem:v30+s23+$0x0], $0xffff;
	v11 =	vcvt.f32.s32 v11  }
0x190: {  	v19 =	vadd.f32 v23, v16;
	v32 =	vld.idx.msk [tilespmem:v28+s23+$0x0], $0xffff;
	v16 =	vmin.f32 v33, $2.899999810e+01;
	v14 =	vcvt.f32.s32 v14  }
0x191: {  	s7 =	simm.s32 $0xE040;
	v30 =	vld.idx.msk [tilespmem:v30+s22+$0x0], $0xffff;
	v33 =	vtrunc.f32 v16;
	v16 =	vmin.f32 v38, $2.899999810e+01  }
0x192: {  	v23 =	vmin.f32 v35, $2.899999810e+01;
	v21 =	vadd.f32 v21, v12;
	[tilespmem:s7+$0x30] =	vst v18;
	v27 =	vtrunc.f32 v16;
	v16 =	vld.idx.msk [tilespmem:v28+s22+$0x0], $0xffff  }
0x193: {  	v62 =	vadd.f32 v22, v37;
	v23 =	vtrunc.f32 v23;
	[tilespmem:s7+$0xFFFFFFC0] =	vst v19;
	v61 =	vmul.f32 v58, v13;
	v18 =	vld.idx.msk [tilespmem:v9+s23+$0x0], $0xffff  }
0x194: {  	v63 =	vadd.f32 v24, v59;
	[tilespmem:s7+$0xFFFFFFD0] =	vst v21;
	v12 =	vcvt.f32.s32 v33;
	v19 =	vld.idx.msk [tilespmem:v10+s23+$0x0], $0xffff;
	v24 =	vmul.f32 v60, v25  }
0x195: {  	[tilespmem:s7+$0xFFFFFFE0] =	vst v62;
	v13 =	vcvt.f32.s32 v23;
	v23 =	vmul.f32 v31, v15;
	v25 =	vadd.f32 v61, v26;
	v21 =	vld.idx.msk [tilespmem:v11+s23+$0x0], $0xffff  }
0x196: {  	s19 =	simm.s32 $0x80;
	s8 =	simm.s32 $0x6140;
	s20 =	simm.s32 $0xE040;
	[tilespmem:s7+$0xFFFFFFF0] =	vst v63;
	v15 =	vcvt.f32.s32 v27;
	v20 =	vmul.f32 v32, v20;
	v22 =	vld.idx.msk [tilespmem:v14+s23+$0x0], $0xffff;
	v24 =	vadd.f32 v24, v30  }
.LBB2_21:
0x197: {  	v26 =	vld [tilespmem:s8+$0x30];
	s19 =	sadd.s32 $0x80, s19;
	[tilespmem:s7+$0x0] =	vst v25;
	v17 =	vadd.f32 v23, v17;
	s20 =	sadd.s32 $0x80, s20  }
0x198: {  	v16 =	vadd.f32 v20, v16;
	v23 =	vld [tilespmem:s8+$0xFFFFFFD0];
	p0 =	slt.u32 s19, $0x1F80;
	[tilespmem:s20+$0x30] =	vst v24  }
0x199: {  	v18 =	vmul.f32 v18, v6;
	v20 =	vld [tilespmem:s8+$0xFFFFFFE0];
	[tilespmem:s7+$0x10] =	vst v17  }
0x19a: {  	v19 =	vmul.f32 v19, v7;
	v17 =	vld [tilespmem:s8+$0xFFFFFFF0];
	[tilespmem:s7+$0x20] =	vst v16;
	s7 =	smov.u32 s20  }
0x19b: {  	v22 =	vmul.f32 v22, v8;
	v16 =	vld [tilespmem:s8+$0x0]  }
0x19c: {  	v21 =	vmul.f32 v21, v5;
	v24 =	vld [tilespmem:s8+$0x10];
	v28 =	vmul.f32 $2.900000000e+01, v26  }
0x19d: {  	v30 =	vmul.f32 $2.900000000e+01, v23;
	v25 =	vld [tilespmem:s8+$0x20];
	v6 =	vmov v23  }
0x19e: {  	v8 =	vld [tilespmem:s8+$0xFFFFFFC0];
	v23 =	vmul.f32 $2.900000000e+01, v20;
	v27 =	vmin.f32 v28, $2.899999810e+01;
	v7 =	vmov v20  }
0x19f: {  	v20 =	vmin.f32 v30, $2.899999810e+01;
	v28 =	vmul.f32 $2.900000000e+01, v17;
	v27 =	vtrunc.f32 v27;
	v29 =	vld.idx.msk [tilespmem:v12+s23+$0x0], $0xffff;
	v5 =	vmovc v17  }
0x1a0: {  	v17 =	vmin.f32 v23, $2.899999810e+01;
	v23 =	vmul.f32 $2.900000000e+01, v16;
	v27 =	vcvt.f32.s32 v27;
	v30 =	vld.idx.msk [tilespmem:v13+s23+$0x0], $0xffff  }
0x1a1: {  	v20 =	vtrunc.f32 v20;
	v28 =	vmin.f32 v28, $2.899999810e+01;
	v31 =	vmul.f32 $2.900000000e+01, v24;
	v32 =	vld.idx.msk [tilespmem:v15+s23+$0x0], $0xffff  }
0x1a2: {  	v17 =	vtrunc.f32 v17;
	v23 =	vmin.f32 v23, $2.899999810e+01;
	v33 =	vmul.f32 $2.900000000e+01, v25;
	v34 =	vld.idx.msk [tilespmem:v14+s22+$0x0], $0xffff  }
0x1a3: {  	v28 =	vtrunc.f32 v28;
	v14 =	vmul.f32 $2.900000000e+01, v8;
	v31 =	vmin.f32 v31, $2.899999810e+01;
	v35 =	vld.idx.msk [tilespmem:v9+s22+$0x0], $0xffff  }
0x1a4: {  	v23 =	vtrunc.f32 v23;
	v31 =	vtrunc.f32 v31;
	v33 =	vmin.f32 v33, $2.899999810e+01;
	v36 =	vld.idx.msk [tilespmem:v10+s22+$0x0], $0xffff  }
0x1a5: {  	v9 =	vcvt.f32.s32 v20;
	v10 =	vmin.f32 v14, $2.899999810e+01;
	v20 =	vtrunc.f32 v33;
	v33 =	vld.idx.msk [tilespmem:v11+s22+$0x0], $0xffff  }
0x1a6: {  	v11 =	vtrunc.f32 v10;
	v10 =	vcvt.f32.s32 v17;
	v37 =	vld.idx.msk [tilespmem:v27+s23+$0x0], $0xffff  }
0x1a7: {  	v14 =	vcvt.f32.s32 v11;
	v11 =	vcvt.f32.s32 v28;
	v28 =	vld.idx.msk [tilespmem:v12+s22+$0x0], $0xffff  }
0x1a8: {  	v31 =	vcvt.f32.s32 v31;
	v12 =	vcvt.f32.s32 v23;
	v22 =	vadd.f32 v22, v34;
	v27 =	vld.idx.msk [tilespmem:v27+s22+$0x0], $0xffff  }
0x1a9: {  	v29 =	vmul.f32 v29, v2;
	v2 =	vmovc v16;
	v34 =	vcvt.f32.s32 v20;
	v35 =	vadd.f32 v18, v35;
	v17 =	vld.idx.msk [tilespmem:v13+s22+$0x0], $0xffff  }
.Ltmp14:
0x1aa: {  	v23 =	vmul.f32 v30, v4;
	v20 =	vmul.f32 v32, v3;
	v36 =	vadd.f32 v19, v36;
	v16 =	vld.idx.msk [tilespmem:v15+s22+$0x0], $0xffff;
	(pc) =	sbr.rel @p0 .LBB2_21-.Ltmp14, $4  }
0x1ab: {  	v4 =	vmovc v24;
	v3 =	vmov v25;
	v13 =	vmov v31;
	v30 =	vadd.f32 v21, v33;
	v18 =	vld.idx.msk [tilespmem:v9+s23+$0x0], $0xffff;
	[tilespmem:s20+$0xFFFFFFC0] =	vst v22  }
0x1ac: {  	v15 =	vmov v34;
	v24 =	vmul.f32 v37, v26;
	v19 =	vld.idx.msk [tilespmem:v10+s23+$0x0], $0xffff;
	[tilespmem:s20+$0xFFFFFFD0] =	vst v35  }
0x1ad: {  	v25 =	vadd.f32 v29, v28;
	v22 =	vld.idx.msk [tilespmem:v14+s23+$0x0], $0xffff;
	[tilespmem:s20+$0xFFFFFFE0] =	vst v36  }
0x1ae: {  	s8 =	sadd.s32 $0x80, s8;
	v24 =	vadd.f32 v24, v27;
	v21 =	vld.idx.msk [tilespmem:v11+s23+$0x0], $0xffff;
	[tilespmem:s20+$0xFFFFFFF0] =	vst v30  }
0x1af: {  	_ =	sdelay $0x3  }
0x1b0: {  	v26 =	vld.idx.msk [tilespmem:v12+s23+$0x0], $0xffff  }
0x1b1: {  	v27 =	vld.idx.msk [tilespmem:v13+s23+$0x0], $0xffff  }
0x1b2: {  	v28 =	vld.idx.msk [tilespmem:v15+s23+$0x0], $0xffff  }
0x1b3: {  	v14 =	vld.idx.msk [tilespmem:v14+s22+$0x0], $0xffff  }
0x1b4: {  	v9 =	vld.idx.msk [tilespmem:v9+s22+$0x0], $0xffff  }
0x1b5: {  	v10 =	vld.idx.msk [tilespmem:v10+s22+$0x0], $0xffff  }
0x1b6: {  	[tilespmem:s7+$0x0] =	vst v25;
	v17 =	vadd.f32 v23, v17;
	s8 =	sadd.s32 $0x80, s20;
	v11 =	vld.idx.msk [tilespmem:v11+s22+$0x0], $0xffff;
	v8 =	vmul.f32 v22, v8  }
0x1b7: {  	v16 =	vadd.f32 v20, v16;
	v61 =	vld.idx.msk [tilespmem:v12+s22+$0x0], $0xffff;
	[tilespmem:s8+$0x30] =	vst v24;
	v6 =	vmul.f32 v18, v6  }
0x1b8: {  	v62 =	vld.idx.msk [tilespmem:v13+s22+$0x0], $0xffff;
	[tilespmem:s7+$0x10] =	vst v17;
	v7 =	vmul.f32 v19, v7;
	v8 =	vadd.f32 v8, v14  }
0x1b9: {  	v63 =	vld.idx.msk [tilespmem:v15+s22+$0x0], $0xffff;
	[tilespmem:s7+$0x20] =	vst v16;
	v5 =	vmul.f32 v21, v5;
	v6 =	vadd.f32 v6, v9  }
0x1ba: {  	v2 =	vmul.f32 v26, v2;
	v7 =	vadd.f32 v7, v10;
	[tilespmem:s8+$0xFFFFFFC0] =	vst v8  }
0x1bb: {  	v4 =	vmul.f32 v27, v4;
	v5 =	vadd.f32 v5, v11;
	[tilespmem:s8+$0xFFFFFFD0] =	vst v6  }
0x1bc: {  	p0 =	seq.s32 s9, $0xF;
	v3 =	vmul.f32 v28, v3;
	[tilespmem:s8+$0xFFFFFFE0] =	vst v7;
	v2 =	vadd.f32 v2, v61  }
.Ltmp15:
0x1bd: {  	v4 =	vadd.f32 v4, v62;
	[tilespmem:s8+$0xFFFFFFF0] =	vst v5;
	(pc) =	sbr.rel @p0 .LBB2_24-.Ltmp15, $4  }
0x1be: {  	[tilespmem:s8+$0x0] =	vst v2;
	v2 =	vadd.f32 v3, v63  }
0x1bf: {  	[tilespmem:s8+$0x10] =	vst v4  }
0x1c0: {  	s20 =	sadd.s32 $0xC00, s18;
	[tilespmem:s8+$0x20] =	vst v2  }
0x1c1: {  	[hbm4b:s20+s5] =	stream.linear.scatter [tilespmem:s3], [sflag:$0x8], $0x2000, $0x38;
	[tilespmem:$0x10180] =	vst v63  }
.Ltmp16:
0x1c2: {  	(pc) =	sbr.rel .LBB2_2-.Ltmp16, $4  }
0x1c3: {  	s7 =	sadd.s32 s10, s14  }
0x1c4: {  	s7 =	sshrl.u32 s7, $0x3  }
0x1c5: {  	s9 =	sadd.s32 $0x1, s9;
	s7 =	sadd.s32 s1, s7  }
0x1c6: {  	[tilespmem:s17], [sflag:$0x4] =	stream.linear.gather [hbm4b:s7+s5], $0x2000, $0x38;
	[tilespmem:$0x10180] =	vst v63  }
.LBB2_25:
0x1c7: {  	_ =	sfence.sel $0x180000  }
0x1c8: {  	[bflag:$0x0] =	sbarrier.arrive $0xFFFF  }
0x1c9: {  	_ =	strace $0x90000047  }
0x1ca: {  	s0 =	stileid.u32;
	[bflag:$0x2] =	sbarrier.arrive $0xFFFF  }
0x1cb: {  	p0 =	sne.s32 s0, $0x0;
	s0 =	rddreg [dreg:$0x3]  }
0x1cc: {  	s0 =	sadd.s32 @!p0 $0x100000, s0  }
0x1cd: {  	[sflag:s0] =	ssyncadd.tile.s32 @!p0 $0x1;
	_ =	shalt  }
.Lfunc_end2:
_tile_overlayer_lowered:
.L_overlay_start_2:
0x1ce: {  	(tag) =	ssettag $0x2  }
0x1cf: {  	s0 =	rddreg [dreg:$0x0];
	s2 =	stileid.u32  }
0x1d0: {  	s1 =	rddreg [dreg:$0x1];
	p0 =	sne.s32 s2, $0x0  }
0x1d1: {  	s3 =	rddreg [dreg:$0x2];
	[bflag:$0x3] =	sbarrier.arrive $0xFFFF;
	s2 =	simm.s32 @!p0 $0x1C09  }
0x1d2: {  	[timem:s3], [sflag:s2] =	dma.local @!p0 [hbm:s0], s1  }
0x1d3: {  	s0 =	simm.s32 @!p0 $0x9  }
0x1d4: {  	_ =	swait.ge @!p0 [sflag:s0], s1  }
0x1d5: {  	s1 =	ssub.s32 @!p0 $0x0, s1;
	[sflag:s0] =	ssyncset.done @!p0 $0x0  }
0x1d6: {  	[sflag:s0] =	ssyncadd.s32 @!p0 s1  }
0x1d7: {  	[bflag:$0x3] =	sbarrier.arrive $0xFFFF  }
0x1d8: {  	_ =	shalt  }

</sc_bundles>
